<compile_context>
chip_gen: v7x
topology: tpu7x:2x2x1
jax: 0.10.2.dev20260603
libtpu: 0.0.44.dev20260713+nightly
codegen_flags: <defaults>
</compile_context>

<pallas_src>
import functools

import jax
import jax.numpy as jnp
from jax import lax
from jax.experimental import pallas as pl
from jax.experimental.pallas import tpu as pltpu
from jax.experimental.pallas import tpu_sc as plsc

L = 16
NC = 2
NS = 16
NW = NC * NS
C = 2048


@functools.partial(jax.jit, static_argnums=(4, 5, 6))
def _density_sample(vol_tiles, xs, ys, zs, D, H, W):
    n = xs.shape[0]
    n_tile = n // NW
    n_chunks = n_tile // C

    sx = (W - 1) * 0.5
    sy = (H - 1) * 0.5
    sz = (D - 1) * 0.5

    mesh = plsc.VectorSubcoreMesh(core_axis_name="c", subcore_axis_name="s")

    @functools.partial(
        pl.kernel,
        out_type=jax.ShapeDtypeStruct((n,), jnp.float32),
        mesh=mesh,
        scratch_types=[
            pltpu.VMEM((C,), jnp.float32),
            pltpu.VMEM((C,), jnp.float32),
            pltpu.VMEM((C,), jnp.float32),
            pltpu.VMEM((C,), jnp.float32),
            pltpu.VMEM((C,), jnp.float32),
            pltpu.VMEM((C,), jnp.float32),
            pltpu.VMEM((8 * C,), jnp.int32),
            pltpu.VMEM((8 * C,), jnp.int32),
            pltpu.VMEM((8 * C,), jnp.float32),
            pltpu.VMEM((8 * C,), jnp.float32),
            pltpu.VMEM((3, C), jnp.float32),
            pltpu.VMEM((3, C), jnp.float32),
            pltpu.VMEM((C,), jnp.float32),
            pltpu.VMEM((C,), jnp.float32),
            pltpu.SemaphoreType.DMA,
            pltpu.SemaphoreType.DMA,
            pltpu.SemaphoreType.DMA,
            pltpu.SemaphoreType.DMA,
            pltpu.SemaphoreType.DMA,
            pltpu.SemaphoreType.DMA,
        ],
        compiler_params=pltpu.CompilerParams(needs_layout_passes=False),
    )
    def body(vol_hbm, xs_hbm, ys_hbm, zs_hbm, out_hbm, x_b0, x_b1, y_b0,
             y_b1, z_b0, z_b1, idx_b0, idx_b1, val_b0, val_b1, w_b0, w_b1,
             out_b0, out_b1, sem_p0, sem_p1, sem_g0, sem_g1, sem_o0, sem_o1):
        x_bufs = (x_b0, x_b1)
        y_bufs = (y_b0, y_b1)
        z_bufs = (z_b0, z_b1)
        idx_bufs = (idx_b0, idx_b1)
        val_bufs = (val_b0, val_b1)
        w_bufs = (w_b0, w_b1)
        out_bufs = (out_b0, out_b1)
        sem_p = (sem_p0, sem_p1)
        sem_g = (sem_g0, sem_g1)
        sem_o = (sem_o0, sem_o1)
        wid = lax.axis_index("s") * NC + lax.axis_index("c")
        tile_base = wid * n_tile

        def start_pts(ci, s):
            b = tile_base + ci * C
            pltpu.async_copy(xs_hbm.at[pl.ds(b, C)], x_bufs[s], sem_p[s])
            pltpu.async_copy(ys_hbm.at[pl.ds(b, C)], y_bufs[s], sem_p[s])
            pltpu.async_copy(zs_hbm.at[pl.ds(b, C)], z_bufs[s], sem_p[s])

        def wait_pts(s):
            pltpu.make_async_copy(xs_hbm.at[pl.ds(0, C)], x_bufs[s], sem_p[s]).wait()
            pltpu.make_async_copy(ys_hbm.at[pl.ds(0, C)], y_bufs[s], sem_p[s]).wait()
            pltpu.make_async_copy(zs_hbm.at[pl.ds(0, C)], z_bufs[s], sem_p[s]).wait()

        def start_gather(s):
            pltpu.async_copy(vol_hbm.at[idx_bufs[s]], val_bufs[s], sem_g[s])

        def wait_gather(s):
            pltpu.make_async_copy(vol_hbm.at[idx_bufs[s]], val_bufs[s], sem_g[s]).wait()

        def start_out(ci, s):
            b = tile_base + ci * C
            pltpu.async_copy(out_bufs[s], out_hbm.at[pl.ds(b, C)], sem_o[s])

        def wait_out(s):
            pltpu.make_async_copy(out_bufs[s], out_hbm.at[pl.ds(0, C)], sem_o[s]).wait()

        def phase1(s):
            x_buf, y_buf, z_buf = x_bufs[s], y_bufs[s], z_bufs[s]
            idx_buf, w_buf = idx_bufs[s], w_bufs[s]

            def group(g, carry):
                b = g * 16
                x = x_buf[pl.ds(b, 16)]
                y = y_buf[pl.ds(b, 16)]
                z = z_buf[pl.ds(b, 16)]
                ix = jnp.clip((x + 1.0) * sx, 0.0, W - 1)
                iy = jnp.clip((y + 1.0) * sy, 0.0, H - 1)
                iz = jnp.clip((z + 1.0) * sz, 0.0, D - 1)
                x0 = ix.astype(jnp.int32)
                y0 = iy.astype(jnp.int32)
                z0 = iz.astype(jnp.int32)
                w_buf[0, pl.ds(b, 16)] = ix - x0.astype(jnp.float32)
                w_buf[1, pl.ds(b, 16)] = iy - y0.astype(jnp.float32)
                w_buf[2, pl.ds(b, 16)] = iz - z0.astype(jnp.float32)
                x1 = jnp.minimum(x0 + 1, W - 1)
                y1 = jnp.minimum(y0 + 1, H - 1)
                z1 = jnp.minimum(z0 + 1, D - 1)
                xp0 = ((x0 >> 7) << 10) + (x0 & 127)
                xp1 = ((x1 >> 7) << 10) + (x1 & 127)
                yp0 = ((y0 >> 3) << 11) + ((y0 & 7) << 7)
                yp1 = ((y1 >> 3) << 11) + ((y1 & 7) << 7)
                a00 = (z0 << 16) + yp0
                a01 = (z0 << 16) + yp1
                a10 = (z1 << 16) + yp0
                a11 = (z1 << 16) + yp1
                idx_buf[pl.ds(0 * C + b, 16)] = a00 + xp0
                idx_buf[pl.ds(1 * C + b, 16)] = a00 + xp1
                idx_buf[pl.ds(2 * C + b, 16)] = a01 + xp0
                idx_buf[pl.ds(3 * C + b, 16)] = a01 + xp1
                idx_buf[pl.ds(4 * C + b, 16)] = a10 + xp0
                idx_buf[pl.ds(5 * C + b, 16)] = a10 + xp1
                idx_buf[pl.ds(6 * C + b, 16)] = a11 + xp0
                idx_buf[pl.ds(7 * C + b, 16)] = a11 + xp1
                return carry

            lax.fori_loop(0, C // 16, group, 0, unroll=False)

        def phase2(s):
            val_buf, w_buf, out_buf = val_bufs[s], w_bufs[s], out_bufs[s]

            def group(g, carry):
                b = g * 16
                c000 = val_buf[pl.ds(0 * C + b, 16)]
                c001 = val_buf[pl.ds(1 * C + b, 16)]
                c010 = val_buf[pl.ds(2 * C + b, 16)]
                c011 = val_buf[pl.ds(3 * C + b, 16)]
                c100 = val_buf[pl.ds(4 * C + b, 16)]
                c101 = val_buf[pl.ds(5 * C + b, 16)]
                c110 = val_buf[pl.ds(6 * C + b, 16)]
                c111 = val_buf[pl.ds(7 * C + b, 16)]
                wx = w_buf[0, pl.ds(b, 16)]
                wy = w_buf[1, pl.ds(b, 16)]
                wz = w_buf[2, pl.ds(b, 16)]
                a = c000 + wx * (c001 - c000)
                bq = c010 + wx * (c011 - c010)
                e = c100 + wx * (c101 - c100)
                f = c110 + wx * (c111 - c110)
                ab = a + wy * (bq - a)
                ef = e + wy * (f - e)
                out_buf[pl.ds(b, 16)] = ab + wz * (ef - ab)
                return carry

            lax.fori_loop(0, C // 16, group, 0, unroll=False)

        for s in (0, 1):
            start_pts(s, s)
        for s in (0, 1):
            wait_pts(s)
            phase1(s)
            start_gather(s)

        def loop_body(ci2, carry):
            for s in (0, 1):
                ci = ci2 * 2 + s
                nxt = ci + 2

                @pl.when(nxt < n_chunks)
                def _():
                    start_pts(nxt, s)

                wait_gather(s)

                @pl.when(ci >= 2)
                def _():
                    wait_out(s)

                phase2(s)
                start_out(ci, s)

                @pl.when(nxt < n_chunks)
                def _():
                    wait_pts(s)
                    phase1(s)
                    start_gather(s)
            return carry

        lax.fori_loop(0, n_chunks // 2, loop_body, 0, unroll=False)
        for s in (0, 1):
            wait_out(s)

    return body(vol_tiles, xs, ys, zs)


def kernel(density_volume, pts):
    _, D, H, W = density_volume.shape
    vol_tiles = (
        density_volume.reshape(D, H // 8, 8, W // 128, 128)
        .transpose(0, 1, 3, 2, 4)
        .reshape(-1)
    )
    return _density_sample(vol_tiles, pts[:, 0], pts[:, 1], pts[:, 2], D, H, W)

# --- scband reference (transcript-rebuilt; emitter-appended) ---
"""Pipeline reference for scband-density-mask-46454366273927 (READ-ONLY COPY).

The authoritative reference and input builder live on the scoring server;
editing this copy changes nothing except your own understanding.
"""

import jax, jax.numpy as jnp
import numpy as np


def _grid_sample_3d(vol, pts):
    # Faithful port of F.grid_sample(mode='bilinear', padding_mode='border', align_corners=True)
    # vol: [C, D, H, W]; pts: [n, 3] with coords in [-1, 1], ordering (x->W, y->H, z->D)
    C, D, H, W = vol.shape
    ix = (pts[:, 0] + 1.0) * 0.5 * (W - 1)
    iy = (pts[:, 1] + 1.0) * 0.5 * (H - 1)
    iz = (pts[:, 2] + 1.0) * 0.5 * (D - 1)
    # padding_mode='border': clip unnormalized coords to valid range
    ix = jnp.clip(ix, 0.0, W - 1)
    iy = jnp.clip(iy, 0.0, H - 1)
    iz = jnp.clip(iz, 0.0, D - 1)
    x0 = jnp.floor(ix); y0 = jnp.floor(iy); z0 = jnp.floor(iz)
    wx = ix - x0; wy = iy - y0; wz = iz - z0
    x0i = x0.astype(jnp.int32); x1i = jnp.clip(x0i + 1, 0, W - 1)
    y0i = y0.astype(jnp.int32); y1i = jnp.clip(y0i + 1, 0, H - 1)
    z0i = z0.astype(jnp.int32); z1i = jnp.clip(z0i + 1, 0, D - 1)

    def g(zi, yi, xi):
        return vol[:, zi, yi, xi]  # gather -> [C, n]

    c000 = g(z0i, y0i, x0i); c001 = g(z0i, y0i, x1i)
    c010 = g(z0i, y1i, x0i); c011 = g(z0i, y1i, x1i)
    c100 = g(z1i, y0i, x0i); c101 = g(z1i, y0i, x1i)
    c110 = g(z1i, y1i, x0i); c111 = g(z1i, y1i, x1i)
    out = (c000 * (1 - wz) * (1 - wy) * (1 - wx)
           + c001 * (1 - wz) * (1 - wy) * wx
           + c010 * (1 - wz) * wy * (1 - wx)
           + c011 * (1 - wz) * wy * wx
           + c100 * wz * (1 - wy) * (1 - wx)
           + c101 * wz * (1 - wy) * wx
           + c110 * wz * wy * (1 - wx)
           + c111 * wz * wy * wx)
    return out  # [C, n]


def setup_inputs(seed: int = 0) -> dict:
    key = jax.random.key(seed)
    k1, k2 = jax.random.split(key)
    density_volume = jax.random.uniform(k1, (1, 256, 256, 256), dtype=jnp.float32)
    pts = jax.random.uniform(k2, (1048576, 3), minval=-1.0, maxval=1.0, dtype=jnp.float32)
    return {"density_volume": density_volume, "pts": pts}


def reference(density_volume, pts):
    # grid_sample_wrapper: grid [1, D, H, W] (dim 4 == grid_dim+1) -> batch unsqueeze
    # => B=1, feature_dim=1; coords [n,3] -> [1,1,1,n,3]; trilinear sample.
    interp = _grid_sample_3d(density_volume, pts)  # [C=1, n]
    interp = jnp.transpose(interp)                 # [n, 1] (view(B,C,n).transpose(-1,-2))
    density_vals = interp.reshape(-1)              # .squeeze().view(-1) -> [n]
    return density_vals

if __name__ == "__main__":
    import jax
    _d = setup_inputs()
    print(jax.jit(kernel)(*tuple(_d.values())))

</pallas_src>

<mosaic_0001>
#map = affine_map<(d0, d1) -> (0)>
module attributes {stable_mosaic.version = 14 : i64} {
  func.func @body(%arg0: i32, %arg1: i32, %arg2: memref<16777216xf32, #tpu.memory_space<hbm>>, %arg3: memref<1048576xf32, #tpu.memory_space<hbm>>, %arg4: memref<1048576xf32, #tpu.memory_space<hbm>>, %arg5: memref<1048576xf32, #tpu.memory_space<hbm>>, %arg6: memref<1048576xf32, #tpu.memory_space<hbm>>, %arg7: memref<2048xf32, #tpu.memory_space<vmem>>, %arg8: memref<2048xf32, #tpu.memory_space<vmem>>, %arg9: memref<2048xf32, #tpu.memory_space<vmem>>, %arg10: memref<2048xf32, #tpu.memory_space<vmem>>, %arg11: memref<2048xf32, #tpu.memory_space<vmem>>, %arg12: memref<2048xf32, #tpu.memory_space<vmem>>, %arg13: memref<16384xi32, #tpu.memory_space<vmem>>, %arg14: memref<16384xi32, #tpu.memory_space<vmem>>, %arg15: memref<16384xf32, #tpu.memory_space<vmem>>, %arg16: memref<16384xf32, #tpu.memory_space<vmem>>, %arg17: memref<3x2048xf32, #tpu.memory_space<vmem>>, %arg18: memref<3x2048xf32, #tpu.memory_space<vmem>>, %arg19: memref<2048xf32, #tpu.memory_space<vmem>>, %arg20: memref<2048xf32, #tpu.memory_space<vmem>>, %arg21: memref<!tpu.dma_semaphore, #tpu.memory_space<semaphore_mem>>, %arg22: memref<!tpu.dma_semaphore, #tpu.memory_space<semaphore_mem>>, %arg23: memref<!tpu.dma_semaphore, #tpu.memory_space<semaphore_mem>>, %arg24: memref<!tpu.dma_semaphore, #tpu.memory_space<semaphore_mem>>, %arg25: memref<!tpu.dma_semaphore, #tpu.memory_space<semaphore_mem>>, %arg26: memref<!tpu.dma_semaphore, #tpu.memory_space<semaphore_mem>>) attributes {dimension_semantics = [#tpu.dimension_semantics<core_parallel>, #tpu.dimension_semantics<subcore_parallel>], iteration_bounds = array<i64: 2, 16>, scalar_prefetch = 0 : i64, scratch_operands = 20 : i64, tpu.core_type = #tpu.core_type<sc_vector_subcore>, window_params = [{transform_indices = #map}, {transform_indices = #map}, {transform_indices = #map}, {transform_indices = #map}, {transform_indices = #map}]} {
    %mul3A = arith.constant 2 : i32
    %mul3A_0 = arith.muli %arg1, %mul3A : i32
    %add3A = arith.addi %mul3A_0, %arg0 : i32
    %mul3A_1 = arith.constant 32768 : i32
    %mul3A_2 = arith.muli %add3A, %mul3A_1 : i32
    %add3A_3 = arith.constant 0 : i32
    %add3A_4 = arith.addi %mul3A_2, %add3A_3 : i32
    %dma_start3A = tpu.memref_slice %arg3[%add3A_4] : memref<1048576xf32, #tpu.memory_space<hbm>> -> memref<2048xf32, #tpu.memory_space<hbm>>
    %dma_start3A_5 = tpu.memref_slice %arg3[%add3A_4] : memref<1048576xf32, #tpu.memory_space<hbm>> -> memref<2048xf32, #tpu.memory_space<hbm>>
    tpu.enqueue_dma source(%dma_start3A_5 : memref<2048xf32, #tpu.memory_space<hbm>>) target(%arg7 : memref<2048xf32, #tpu.memory_space<vmem>>) target_semaphore(%arg21 : memref<!tpu.dma_semaphore, #tpu.memory_space<semaphore_mem>>)
    %dma_start3A_6 = tpu.memref_slice %arg4[%add3A_4] : memref<1048576xf32, #tpu.memory_space<hbm>> -> memref<2048xf32, #tpu.memory_space<hbm>>
    %dma_start3A_7 = tpu.memref_slice %arg4[%add3A_4] : memref<1048576xf32, #tpu.memory_space<hbm>> -> memref<2048xf32, #tpu.memory_space<hbm>>
    tpu.enqueue_dma source(%dma_start3A_7 : memref<2048xf32, #tpu.memory_space<hbm>>) target(%arg9 : memref<2048xf32, #tpu.memory_space<vmem>>) target_semaphore(%arg21 : memref<!tpu.dma_semaphore, #tpu.memory_space<semaphore_mem>>)
    %dma_start3A_8 = tpu.memref_slice %arg5[%add3A_4] : memref<1048576xf32, #tpu.memory_space<hbm>> -> memref<2048xf32, #tpu.memory_space<hbm>>
    %dma_start3A_9 = tpu.memref_slice %arg5[%add3A_4] : memref<1048576xf32, #tpu.memory_space<hbm>> -> memref<2048xf32, #tpu.memory_space<hbm>>
    tpu.enqueue_dma source(%dma_start3A_9 : memref<2048xf32, #tpu.memory_space<hbm>>) target(%arg11 : memref<2048xf32, #tpu.memory_space<vmem>>) target_semaphore(%arg21 : memref<!tpu.dma_semaphore, #tpu.memory_space<semaphore_mem>>)
    %add3A_10 = arith.constant 2048 : i32
    %add3A_11 = arith.addi %mul3A_2, %add3A_10 : i32
    %dma_start3A_12 = tpu.memref_slice %arg3[%add3A_11] : memref<1048576xf32, #tpu.memory_space<hbm>> -> memref<2048xf32, #tpu.memory_space<hbm>>
    %dma_start3A_13 = tpu.memref_slice %arg3[%add3A_11] : memref<1048576xf32, #tpu.memory_space<hbm>> -> memref<2048xf32, #tpu.memory_space<hbm>>
    tpu.enqueue_dma source(%dma_start3A_13 : memref<2048xf32, #tpu.memory_space<hbm>>) target(%arg8 : memref<2048xf32, #tpu.memory_space<vmem>>) target_semaphore(%arg22 : memref<!tpu.dma_semaphore, #tpu.memory_space<semaphore_mem>>)
    %dma_start3A_14 = tpu.memref_slice %arg4[%add3A_11] : memref<1048576xf32, #tpu.memory_space<hbm>> -> memref<2048xf32, #tpu.memory_space<hbm>>
    %dma_start3A_15 = tpu.memref_slice %arg4[%add3A_11] : memref<1048576xf32, #tpu.memory_space<hbm>> -> memref<2048xf32, #tpu.memory_space<hbm>>
    tpu.enqueue_dma source(%dma_start3A_15 : memref<2048xf32, #tpu.memory_space<hbm>>) target(%arg10 : memref<2048xf32, #tpu.memory_space<vmem>>) target_semaphore(%arg22 : memref<!tpu.dma_semaphore, #tpu.memory_space<semaphore_mem>>)
    %dma_start3A_16 = tpu.memref_slice %arg5[%add3A_11] : memref<1048576xf32, #tpu.memory_space<hbm>> -> memref<2048xf32, #tpu.memory_space<hbm>>
    %dma_start3A_17 = tpu.memref_slice %arg5[%add3A_11] : memref<1048576xf32, #tpu.memory_space<hbm>> -> memref<2048xf32, #tpu.memory_space<hbm>>
    tpu.enqueue_dma source(%dma_start3A_17 : memref<2048xf32, #tpu.memory_space<hbm>>) target(%arg12 : memref<2048xf32, #tpu.memory_space<vmem>>) target_semaphore(%arg22 : memref<!tpu.dma_semaphore, #tpu.memory_space<semaphore_mem>>)
    %dma_wait3A = arith.constant 0 : i32
    %dma_wait3A_18 = tpu.memref_slice %arg3[%dma_wait3A] : memref<1048576xf32, #tpu.memory_space<hbm>> -> memref<2048xf32, #tpu.memory_space<hbm>>
    %dma_wait3A_19 = arith.constant 0 : i32
    %dma_wait3A_20 = tpu.memref_slice %arg3[%dma_wait3A_19] : memref<1048576xf32, #tpu.memory_space<hbm>> -> memref<2048xf32, #tpu.memory_space<hbm>>
    tpu.wait_dma2 semaphore(%arg21 : memref<!tpu.dma_semaphore, #tpu.memory_space<semaphore_mem>>) src(%dma_wait3A_20 : memref<2048xf32, #tpu.memory_space<hbm>>) dst(%arg7 : memref<2048xf32, #tpu.memory_space<vmem>>)
    %dma_wait3A_21 = arith.constant 0 : i32
    %dma_wait3A_22 = tpu.memref_slice %arg4[%dma_wait3A_21] : memref<1048576xf32, #tpu.memory_space<hbm>> -> memref<2048xf32, #tpu.memory_space<hbm>>
    %dma_wait3A_23 = arith.constant 0 : i32
    %dma_wait3A_24 = tpu.memref_slice %arg4[%dma_wait3A_23] : memref<1048576xf32, #tpu.memory_space<hbm>> -> memref<2048xf32, #tpu.memory_space<hbm>>
    tpu.wait_dma2 semaphore(%arg21 : memref<!tpu.dma_semaphore, #tpu.memory_space<semaphore_mem>>) src(%dma_wait3A_24 : memref<2048xf32, #tpu.memory_space<hbm>>) dst(%arg9 : memref<2048xf32, #tpu.memory_space<vmem>>)
    %dma_wait3A_25 = arith.constant 0 : i32
    %dma_wait3A_26 = tpu.memref_slice %arg5[%dma_wait3A_25] : memref<1048576xf32, #tpu.memory_space<hbm>> -> memref<2048xf32, #tpu.memory_space<hbm>>
    %dma_wait3A_27 = arith.constant 0 : i32
    %dma_wait3A_28 = tpu.memref_slice %arg5[%dma_wait3A_27] : memref<1048576xf32, #tpu.memory_space<hbm>> -> memref<2048xf32, #tpu.memory_space<hbm>>
    tpu.wait_dma2 semaphore(%arg21 : memref<!tpu.dma_semaphore, #tpu.memory_space<semaphore_mem>>) src(%dma_wait3A_28 : memref<2048xf32, #tpu.memory_space<hbm>>) dst(%arg11 : memref<2048xf32, #tpu.memory_space<vmem>>)
    %scan3A = arith.constant 0 : i32
    %scan3A_29 = arith.constant 0 : i32
    %scan3A_30 = arith.constant 128 : i32
    %scan3A_31 = arith.addi %scan3A_29, %scan3A_30 : i32
    %scan3A_32 = arith.constant 1 : i32
    scf.for %scan3A_70 = %scan3A_29 to %scan3A_31 step %scan3A_32  : i32 {
      %mul3A_71 = arith.constant 16 : i32
      %mul3A_72 = arith.muli %scan3A_70, %mul3A_71 : i32
      %get3A = arith.index_cast %mul3A_72 : i32 to index
      %get3A_73 = tpu.vector_load %arg7[%get3A] {strides = array<i32>} : memref<2048xf32, #tpu.memory_space<vmem>>, vector<16xf32>,
      %get3A_74 = arith.index_cast %mul3A_72 : i32 to index
      %get3A_75 = tpu.vector_load %arg9[%get3A_74] {strides = array<i32>} : memref<2048xf32, #tpu.memory_space<vmem>>, vector<16xf32>,
      %get3A_76 = arith.index_cast %mul3A_72 : i32 to index
      %get3A_77 = tpu.vector_load %arg11[%get3A_76] {strides = array<i32>} : memref<2048xf32, #tpu.memory_space<vmem>>, vector<16xf32>,
      %add3A_78 = arith.constant 1.000000e+00 : f32
      %add3A_79 = vector.broadcast %add3A_78 : f32 to vector<16xf32>
      %add3A_80 = arith.addf %get3A_73, %add3A_79 : vector<16xf32>
      %mul3A_81 = arith.constant 1.275000e+02 : f32
      %mul3A_82 = vector.broadcast %mul3A_81 : f32 to vector<16xf32>
      %mul3A_83 = arith.mulf %add3A_80, %mul3A_82 : vector<16xf32>
      %jit3A = arith.constant 0.000000e+00 : f32
      %jit3A_84 = arith.constant 255 : i32
      %max3A = vector.broadcast %jit3A : f32 to vector<16xf32>
      %max3A_85 = arith.maximumf %max3A, %mul3A_83 : vector<16xf32>
      %convert_element_type3A = arith.sitofp %jit3A_84 : i32 to f32
      %min3A = vector.broadcast %convert_element_type3A : f32 to vector<16xf32>
      %min3A_86 = arith.minimumf %min3A, %max3A_85 : vector<16xf32>
      %add3A_87 = arith.constant 1.000000e+00 : f32
      %add3A_88 = vector.broadcast %add3A_87 : f32 to vector<16xf32>
      %add3A_89 = arith.addf %get3A_75, %add3A_88 : vector<16xf32>
      %mul3A_90 = arith.constant 1.275000e+02 : f32
      %mul3A_91 = vector.broadcast %mul3A_90 : f32 to vector<16xf32>
      %mul3A_92 = arith.mulf %add3A_89, %mul3A_91 : vector<16xf32>
      %jit3A_93 = arith.constant 0.000000e+00 : f32
      %jit3A_94 = arith.constant 255 : i32
      %max3A_95 = vector.broadcast %jit3A_93 : f32 to vector<16xf32>
      %max3A_96 = arith.maximumf %max3A_95, %mul3A_92 : vector<16xf32>
      %convert_element_type3A_97 = arith.sitofp %jit3A_94 : i32 to f32
      %min3A_98 = vector.broadcast %convert_element_type3A_97 : f32 to vector<16xf32>
      %min3A_99 = arith.minimumf %min3A_98, %max3A_96 : vector<16xf32>
      %add3A_100 = arith.constant 1.000000e+00 : f32
      %add3A_101 = vector.broadcast %add3A_100 : f32 to vector<16xf32>
      %add3A_102 = arith.addf %get3A_77, %add3A_101 : vector<16xf32>
      %mul3A_103 = arith.constant 1.275000e+02 : f32
      %mul3A_104 = vector.broadcast %mul3A_103 : f32 to vector<16xf32>
      %mul3A_105 = arith.mulf %add3A_102, %mul3A_104 : vector<16xf32>
      %jit3A_106 = arith.constant 0.000000e+00 : f32
      %jit3A_107 = arith.constant 255 : i32
      %max3A_108 = vector.broadcast %jit3A_106 : f32 to vector<16xf32>
      %max3A_109 = arith.maximumf %max3A_108, %mul3A_105 : vector<16xf32>
      %convert_element_type3A_110 = arith.sitofp %jit3A_107 : i32 to f32
      %min3A_111 = vector.broadcast %convert_element_type3A_110 : f32 to vector<16xf32>
      %min3A_112 = arith.minimumf %min3A_111, %max3A_109 : vector<16xf32>
      %convert_element_type3A_113 = arith.fptosi %min3A_86 : vector<16xf32> to vector<16xi32>
      %convert_element_type3A_114 = arith.fptosi %min3A_99 : vector<16xf32> to vector<16xi32>
      %convert_element_type3A_115 = arith.fptosi %min3A_112 : vector<16xf32> to vector<16xi32>
      %convert_element_type3A_116 = arith.sitofp %convert_element_type3A_113 : vector<16xi32> to vector<16xf32>
      %sub3A = arith.subf %min3A_86, %convert_element_type3A_116 : vector<16xf32>
      %swap3A = arith.constant 0 : i32
      %swap3A_117 = arith.index_cast %swap3A : i32 to index
      %swap3A_118 = arith.index_cast %mul3A_72 : i32 to index
      %swap3A_119 = tpu.vector_load %arg17[%swap3A_117, %swap3A_118] {strides = array<i32>} : memref<3x2048xf32, #tpu.memory_space<vmem>>, vector<16xf32>,
      tpu.vector_store %arg17[%swap3A_117, %swap3A_118], %sub3A {strides = array<i32>} : memref<3x2048xf32, #tpu.memory_space<vmem>>, vector<16xf32>,
      %convert_element_type3A_120 = arith.sitofp %convert_element_type3A_114 : vector<16xi32> to vector<16xf32>
      %sub3A_121 = arith.subf %min3A_99, %convert_element_type3A_120 : vector<16xf32>
      %swap3A_122 = arith.constant 1 : i32
      %swap3A_123 = arith.index_cast %swap3A_122 : i32 to index
      %swap3A_124 = arith.index_cast %mul3A_72 : i32 to index
      %swap3A_125 = tpu.vector_load %arg17[%swap3A_123, %swap3A_124] {strides = array<i32>} : memref<3x2048xf32, #tpu.memory_space<vmem>>, vector<16xf32>,
      tpu.vector_store %arg17[%swap3A_123, %swap3A_124], %sub3A_121 {strides = array<i32>} : memref<3x2048xf32, #tpu.memory_space<vmem>>, vector<16xf32>,
      %convert_element_type3A_126 = arith.sitofp %convert_element_type3A_115 : vector<16xi32> to vector<16xf32>
      %sub3A_127 = arith.subf %min3A_112, %convert_element_type3A_126 : vector<16xf32>
      %swap3A_128 = arith.constant 2 : i32
      %swap3A_129 = arith.index_cast %swap3A_128 : i32 to index
      %swap3A_130 = arith.index_cast %mul3A_72 : i32 to index
      %swap3A_131 = tpu.vector_load %arg17[%swap3A_129, %swap3A_130] {strides = array<i32>} : memref<3x2048xf32, #tpu.memory_space<vmem>>, vector<16xf32>,
      tpu.vector_store %arg17[%swap3A_129, %swap3A_130], %sub3A_127 {strides = array<i32>} : memref<3x2048xf32, #tpu.memory_space<vmem>>, vector<16xf32>,
      %add3A_132 = arith.constant 1 : i32
      %add3A_133 = vector.broadcast %add3A_132 : i32 to vector<16xi32>
      %add3A_134 = arith.addi %convert_element_type3A_113, %add3A_133 : vector<16xi32>
      %min3A_135 = arith.constant 255 : i32
      %min3A_136 = vector.broadcast %min3A_135 : i32 to vector<16xi32>
      %min3A_137 = arith.minsi %add3A_134, %min3A_136 : vector<16xi32>
      %add3A_138 = arith.constant 1 : i32
      %add3A_139 = vector.broadcast %add3A_138 : i32 to vector<16xi32>
      %add3A_140 = arith.addi %convert_element_type3A_114, %add3A_139 : vector<16xi32>
      %min3A_141 = arith.constant 255 : i32
      %min3A_142 = vector.broadcast %min3A_141 : i32 to vector<16xi32>
      %min3A_143 = arith.minsi %add3A_140, %min3A_142 : vector<16xi32>
      %add3A_144 = arith.constant 1 : i32
      %add3A_145 = vector.broadcast %add3A_144 : i32 to vector<16xi32>
      %add3A_146 = arith.addi %convert_element_type3A_115, %add3A_145 : vector<16xi32>
      %min3A_147 = arith.constant 255 : i32
      %min3A_148 = vector.broadcast %min3A_147 : i32 to vector<16xi32>
      %min3A_149 = arith.minsi %add3A_146, %min3A_148 : vector<16xi32>
      %shift_right_arithmetic3A = arith.constant 7 : i32
      %shift_right_arithmetic3A_150 = vector.broadcast %shift_right_arithmetic3A : i32 to vector<16xi32>
      %shift_right_arithmetic3A_151 = arith.shrsi %convert_element_type3A_113, %shift_right_arithmetic3A_150 : vector<16xi32>
      %shift_left3A = arith.constant 10 : i32
      %shift_left3A_152 = vector.broadcast %shift_left3A : i32 to vector<16xi32>
      %shift_left3A_153 = arith.shli %shift_right_arithmetic3A_151, %shift_left3A_152 : vector<16xi32>
      %and3A = arith.constant 127 : i32
      %and3A_154 = vector.broadcast %and3A : i32 to vector<16xi32>
      %and3A_155 = arith.andi %convert_element_type3A_113, %and3A_154 : vector<16xi32>
      %add3A_156 = arith.addi %shift_left3A_153, %and3A_155 : vector<16xi32>
      %shift_right_arithmetic3A_157 = arith.constant 7 : i32
      %shift_right_arithmetic3A_158 = vector.broadcast %shift_right_arithmetic3A_157 : i32 to vector<16xi32>
      %shift_right_arithmetic3A_159 = arith.shrsi %min3A_137, %shift_right_arithmetic3A_158 : vector<16xi32>
      %shift_left3A_160 = arith.constant 10 : i32
      %shift_left3A_161 = vector.broadcast %shift_left3A_160 : i32 to vector<16xi32>
      %shift_left3A_162 = arith.shli %shift_right_arithmetic3A_159, %shift_left3A_161 : vector<16xi32>
      %and3A_163 = arith.constant 127 : i32
      %and3A_164 = vector.broadcast %and3A_163 : i32 to vector<16xi32>
      %and3A_165 = arith.andi %min3A_137, %and3A_164 : vector<16xi32>
      %add3A_166 = arith.addi %shift_left3A_162, %and3A_165 : vector<16xi32>
      %shift_right_arithmetic3A_167 = arith.constant 3 : i32
      %shift_right_arithmetic3A_168 = vector.broadcast %shift_right_arithmetic3A_167 : i32 to vector<16xi32>
      %shift_right_arithmetic3A_169 = arith.shrsi %convert_element_type3A_114, %shift_right_arithmetic3A_168 : vector<16xi32>
      %shift_left3A_170 = arith.constant 11 : i32
      %shift_left3A_171 = vector.broadcast %shift_left3A_170 : i32 to vector<16xi32>
      %shift_left3A_172 = arith.shli %shift_right_arithmetic3A_169, %shift_left3A_171 : vector<16xi32>
      %and3A_173 = arith.constant 7 : i32
      %and3A_174 = vector.broadcast %and3A_173 : i32 to vector<16xi32>
      %and3A_175 = arith.andi %convert_element_type3A_114, %and3A_174 : vector<16xi32>
      %shift_left3A_176 = arith.constant 7 : i32
      %shift_left3A_177 = vector.broadcast %shift_left3A_176 : i32 to vector<16xi32>
      %shift_left3A_178 = arith.shli %and3A_175, %shift_left3A_177 : vector<16xi32>
      %add3A_179 = arith.addi %shift_left3A_172, %shift_left3A_178 : vector<16xi32>
      %shift_right_arithmetic3A_180 = arith.constant 3 : i32
      %shift_right_arithmetic3A_181 = vector.broadcast %shift_right_arithmetic3A_180 : i32 to vector<16xi32>
      %shift_right_arithmetic3A_182 = arith.shrsi %min3A_143, %shift_right_arithmetic3A_181 : vector<16xi32>
      %shift_left3A_183 = arith.constant 11 : i32
      %shift_left3A_184 = vector.broadcast %shift_left3A_183 : i32 to vector<16xi32>
      %shift_left3A_185 = arith.shli %shift_right_arithmetic3A_182, %shift_left3A_184 : vector<16xi32>
      %and3A_186 = arith.constant 7 : i32
      %and3A_187 = vector.broadcast %and3A_186 : i32 to vector<16xi32>
      %and3A_188 = arith.andi %min3A_143, %and3A_187 : vector<16xi32>
      %shift_left3A_189 = arith.constant 7 : i32
      %shift_left3A_190 = vector.broadcast %shift_left3A_189 : i32 to vector<16xi32>
      %shift_left3A_191 = arith.shli %and3A_188, %shift_left3A_190 : vector<16xi32>
      %add3A_192 = arith.addi %shift_left3A_185, %shift_left3A_191 : vector<16xi32>
      %shift_left3A_193 = arith.constant 16 : i32
      %shift_left3A_194 = vector.broadcast %shift_left3A_193 : i32 to vector<16xi32>
      %shift_left3A_195 = arith.shli %convert_element_type3A_115, %shift_left3A_194 : vector<16xi32>
      %add3A_196 = arith.addi %shift_left3A_195, %add3A_179 : vector<16xi32>
      %shift_left3A_197 = arith.constant 16 : i32
      %shift_left3A_198 = vector.broadcast %shift_left3A_197 : i32 to vector<16xi32>
      %shift_left3A_199 = arith.shli %convert_element_type3A_115, %shift_left3A_198 : vector<16xi32>
      %add3A_200 = arith.addi %shift_left3A_199, %add3A_192 : vector<16xi32>
      %shift_left3A_201 = arith.constant 16 : i32
      %shift_left3A_202 = vector.broadcast %shift_left3A_201 : i32 to vector<16xi32>
      %shift_left3A_203 = arith.shli %min3A_149, %shift_left3A_202 : vector<16xi32>
      %add3A_204 = arith.addi %shift_left3A_203, %add3A_179 : vector<16xi32>
      %shift_left3A_205 = arith.constant 16 : i32
      %shift_left3A_206 = vector.broadcast %shift_left3A_205 : i32 to vector<16xi32>
      %shift_left3A_207 = arith.shli %min3A_149, %shift_left3A_206 : vector<16xi32>
      %add3A_208 = arith.addi %shift_left3A_207, %add3A_192 : vector<16xi32>
      %add3A_209 = arith.addi %add3A_196, %add3A_156 : vector<16xi32>
      %add3A_210 = arith.constant 0 : i32
      %add3A_211 = arith.addi %add3A_210, %mul3A_72 : i32
      %swap3A_212 = arith.index_cast %add3A_211 : i32 to index
      %swap3A_213 = tpu.vector_load %arg13[%swap3A_212] {strides = array<i32>} : memref<16384xi32, #tpu.memory_space<vmem>>, vector<16xi32>,
      tpu.vector_store %arg13[%swap3A_212], %add3A_209 {strides = array<i32>} : memref<16384xi32, #tpu.memory_space<vmem>>, vector<16xi32>,
      %add3A_214 = arith.addi %add3A_196, %add3A_166 : vector<16xi32>
      %add3A_215 = arith.constant 2048 : i32
      %add3A_216 = arith.addi %add3A_215, %mul3A_72 : i32
      %swap3A_217 = arith.index_cast %add3A_216 : i32 to index
      %swap3A_218 = tpu.vector_load %arg13[%swap3A_217] {strides = array<i32>} : memref<16384xi32, #tpu.memory_space<vmem>>, vector<16xi32>,
      tpu.vector_store %arg13[%swap3A_217], %add3A_214 {strides = array<i32>} : memref<16384xi32, #tpu.memory_space<vmem>>, vector<16xi32>,
      %add3A_219 = arith.addi %add3A_200, %add3A_156 : vector<16xi32>
      %add3A_220 = arith.constant 4096 : i32
      %add3A_221 = arith.addi %add3A_220, %mul3A_72 : i32
      %swap3A_222 = arith.index_cast %add3A_221 : i32 to index
      %swap3A_223 = tpu.vector_load %arg13[%swap3A_222] {strides = array<i32>} : memref<16384xi32, #tpu.memory_space<vmem>>, vector<16xi32>,
      tpu.vector_store %arg13[%swap3A_222], %add3A_219 {strides = array<i32>} : memref<16384xi32, #tpu.memory_space<vmem>>, vector<16xi32>,
      %add3A_224 = arith.addi %add3A_200, %add3A_166 : vector<16xi32>
      %add3A_225 = arith.constant 6144 : i32
      %add3A_226 = arith.addi %add3A_225, %mul3A_72 : i32
      %swap3A_227 = arith.index_cast %add3A_226 : i32 to index
      %swap3A_228 = tpu.vector_load %arg13[%swap3A_227] {strides = array<i32>} : memref<16384xi32, #tpu.memory_space<vmem>>, vector<16xi32>,
      tpu.vector_store %arg13[%swap3A_227], %add3A_224 {strides = array<i32>} : memref<16384xi32, #tpu.memory_space<vmem>>, vector<16xi32>,
      %add3A_229 = arith.addi %add3A_204, %add3A_156 : vector<16xi32>
      %add3A_230 = arith.constant 8192 : i32
      %add3A_231 = arith.addi %add3A_230, %mul3A_72 : i32
      %swap3A_232 = arith.index_cast %add3A_231 : i32 to index
      %swap3A_233 = tpu.vector_load %arg13[%swap3A_232] {strides = array<i32>} : memref<16384xi32, #tpu.memory_space<vmem>>, vector<16xi32>,
      tpu.vector_store %arg13[%swap3A_232], %add3A_229 {strides = array<i32>} : memref<16384xi32, #tpu.memory_space<vmem>>, vector<16xi32>,
      %add3A_234 = arith.addi %add3A_204, %add3A_166 : vector<16xi32>
      %add3A_235 = arith.constant 10240 : i32
      %add3A_236 = arith.addi %add3A_235, %mul3A_72 : i32
      %swap3A_237 = arith.index_cast %add3A_236 : i32 to index
      %swap3A_238 = tpu.vector_load %arg13[%swap3A_237] {strides = array<i32>} : memref<16384xi32, #tpu.memory_space<vmem>>, vector<16xi32>,
      tpu.vector_store %arg13[%swap3A_237], %add3A_234 {strides = array<i32>} : memref<16384xi32, #tpu.memory_space<vmem>>, vector<16xi32>,
      %add3A_239 = arith.addi %add3A_208, %add3A_156 : vector<16xi32>
      %add3A_240 = arith.constant 12288 : i32
      %add3A_241 = arith.addi %add3A_240, %mul3A_72 : i32
      %swap3A_242 = arith.index_cast %add3A_241 : i32 to index
      %swap3A_243 = tpu.vector_load %arg13[%swap3A_242] {strides = array<i32>} : memref<16384xi32, #tpu.memory_space<vmem>>, vector<16xi32>,
      tpu.vector_store %arg13[%swap3A_242], %add3A_239 {strides = array<i32>} : memref<16384xi32, #tpu.memory_space<vmem>>, vector<16xi32>,
      %add3A_244 = arith.addi %add3A_208, %add3A_166 : vector<16xi32>
      %add3A_245 = arith.constant 14336 : i32
      %add3A_246 = arith.addi %add3A_245, %mul3A_72 : i32
      %swap3A_247 = arith.index_cast %add3A_246 : i32 to index
      %swap3A_248 = tpu.vector_load %arg13[%swap3A_247] {strides = array<i32>} : memref<16384xi32, #tpu.memory_space<vmem>>, vector<16xi32>,
      tpu.vector_store %arg13[%swap3A_247], %add3A_244 {strides = array<i32>} : memref<16384xi32, #tpu.memory_space<vmem>>, vector<16xi32>,
    }
    %scan3A_33 = arith.constant 128 : i32
    %dma_start3A_34 = arith.constant 0 : i32
    %dma_start3A_35 = tpu.memref_slice %arg2[%dma_start3A_34] : memref<16777216xf32, #tpu.memory_space<hbm>> -> memref<16777216xf32, #tpu.memory_space<hbm>>
    tpu.enqueue_indirect_dma source(%dma_start3A_35 : memref<16777216xf32, #tpu.memory_space<hbm>>) target(%arg15 : memref<16384xf32, #tpu.memory_space<vmem>>) offsets(%arg13 : memref<16384xi32, #tpu.memory_space<vmem>>) semaphore(%arg23 : memref<!tpu.dma_semaphore, #tpu.memory_space<semaphore_mem>>)
    %dma_wait3A_36 = arith.constant 0 : i32
    %dma_wait3A_37 = tpu.memref_slice %arg3[%dma_wait3A_36] : memref<1048576xf32, #tpu.memory_space<hbm>> -> memref<2048xf32, #tpu.memory_space<hbm>>
    %dma_wait3A_38 = arith.constant 0 : i32
    %dma_wait3A_39 = tpu.memref_slice %arg3[%dma_wait3A_38] : memref<1048576xf32, #tpu.memory_space<hbm>> -> memref<2048xf32, #tpu.memory_space<hbm>>
    tpu.wait_dma2 semaphore(%arg22 : memref<!tpu.dma_semaphore, #tpu.memory_space<semaphore_mem>>) src(%dma_wait3A_39 : memref<2048xf32, #tpu.memory_space<hbm>>) dst(%arg8 : memref<2048xf32, #tpu.memory_space<vmem>>)
    %dma_wait3A_40 = arith.constant 0 : i32
    %dma_wait3A_41 = tpu.memref_slice %arg4[%dma_wait3A_40] : memref<1048576xf32, #tpu.memory_space<hbm>> -> memref<2048xf32, #tpu.memory_space<hbm>>
    %dma_wait3A_42 = arith.constant 0 : i32
    %dma_wait3A_43 = tpu.memref_slice %arg4[%dma_wait3A_42] : memref<1048576xf32, #tpu.memory_space<hbm>> -> memref<2048xf32, #tpu.memory_space<hbm>>
    tpu.wait_dma2 semaphore(%arg22 : memref<!tpu.dma_semaphore, #tpu.memory_space<semaphore_mem>>) src(%dma_wait3A_43 : memref<2048xf32, #tpu.memory_space<hbm>>) dst(%arg10 : memref<2048xf32, #tpu.memory_space<vmem>>)
    %dma_wait3A_44 = arith.constant 0 : i32
    %dma_wait3A_45 = tpu.memref_slice %arg5[%dma_wait3A_44] : memref<1048576xf32, #tpu.memory_space<hbm>> -> memref<2048xf32, #tpu.memory_space<hbm>>
    %dma_wait3A_46 = arith.constant 0 : i32
    %dma_wait3A_47 = tpu.memref_slice %arg5[%dma_wait3A_46] : memref<1048576xf32, #tpu.memory_space<hbm>> -> memref<2048xf32, #tpu.memory_space<hbm>>
    tpu.wait_dma2 semaphore(%arg22 : memref<!tpu.dma_semaphore, #tpu.memory_space<semaphore_mem>>) src(%dma_wait3A_47 : memref<2048xf32, #tpu.memory_space<hbm>>) dst(%arg12 : memref<2048xf32, #tpu.memory_space<vmem>>)
    %scan3A_48 = arith.constant 0 : i32
    %scan3A_49 = arith.constant 0 : i32
    %scan3A_50 = arith.constant 128 : i32
    %scan3A_51 = arith.addi %scan3A_49, %scan3A_50 : i32
    %scan3A_52 = arith.constant 1 : i32
    scf.for %scan3A_70 = %scan3A_49 to %scan3A_51 step %scan3A_52  : i32 {
      %mul3A_71 = arith.constant 16 : i32
      %mul3A_72 = arith.muli %scan3A_70, %mul3A_71 : i32
      %get3A = arith.index_cast %mul3A_72 : i32 to index
      %get3A_73 = tpu.vector_load %arg8[%get3A] {strides = array<i32>} : memref<2048xf32, #tpu.memory_space<vmem>>, vector<16xf32>,
      %get3A_74 = arith.index_cast %mul3A_72 : i32 to index
      %get3A_75 = tpu.vector_load %arg10[%get3A_74] {strides = array<i32>} : memref<2048xf32, #tpu.memory_space<vmem>>, vector<16xf32>,
      %get3A_76 = arith.index_cast %mul3A_72 : i32 to index
      %get3A_77 = tpu.vector_load %arg12[%get3A_76] {strides = array<i32>} : memref<2048xf32, #tpu.memory_space<vmem>>, vector<16xf32>,
      %add3A_78 = arith.constant 1.000000e+00 : f32
      %add3A_79 = vector.broadcast %add3A_78 : f32 to vector<16xf32>
      %add3A_80 = arith.addf %get3A_73, %add3A_79 : vector<16xf32>
      %mul3A_81 = arith.constant 1.275000e+02 : f32
      %mul3A_82 = vector.broadcast %mul3A_81 : f32 to vector<16xf32>
      %mul3A_83 = arith.mulf %add3A_80, %mul3A_82 : vector<16xf32>
      %jit3A = arith.constant 0.000000e+00 : f32
      %jit3A_84 = arith.constant 255 : i32
      %max3A = vector.broadcast %jit3A : f32 to vector<16xf32>
      %max3A_85 = arith.maximumf %max3A, %mul3A_83 : vector<16xf32>
      %convert_element_type3A = arith.sitofp %jit3A_84 : i32 to f32
      %min3A = vector.broadcast %convert_element_type3A : f32 to vector<16xf32>
      %min3A_86 = arith.minimumf %min3A, %max3A_85 : vector<16xf32>
      %add3A_87 = arith.constant 1.000000e+00 : f32
      %add3A_88 = vector.broadcast %add3A_87 : f32 to vector<16xf32>
      %add3A_89 = arith.addf %get3A_75, %add3A_88 : vector<16xf32>
      %mul3A_90 = arith.constant 1.275000e+02 : f32
      %mul3A_91 = vector.broadcast %mul3A_90 : f32 to vector<16xf32>
      %mul3A_92 = arith.mulf %add3A_89, %mul3A_91 : vector<16xf32>
      %jit3A_93 = arith.constant 0.000000e+00 : f32
      %jit3A_94 = arith.constant 255 : i32
      %max3A_95 = vector.broadcast %jit3A_93 : f32 to vector<16xf32>
      %max3A_96 = arith.maximumf %max3A_95, %mul3A_92 : vector<16xf32>
      %convert_element_type3A_97 = arith.sitofp %jit3A_94 : i32 to f32
      %min3A_98 = vector.broadcast %convert_element_type3A_97 : f32 to vector<16xf32>
      %min3A_99 = arith.minimumf %min3A_98, %max3A_96 : vector<16xf32>
      %add3A_100 = arith.constant 1.000000e+00 : f32
      %add3A_101 = vector.broadcast %add3A_100 : f32 to vector<16xf32>
      %add3A_102 = arith.addf %get3A_77, %add3A_101 : vector<16xf32>
      %mul3A_103 = arith.constant 1.275000e+02 : f32
      %mul3A_104 = vector.broadcast %mul3A_103 : f32 to vector<16xf32>
      %mul3A_105 = arith.mulf %add3A_102, %mul3A_104 : vector<16xf32>
      %jit3A_106 = arith.constant 0.000000e+00 : f32
      %jit3A_107 = arith.constant 255 : i32
      %max3A_108 = vector.broadcast %jit3A_106 : f32 to vector<16xf32>
      %max3A_109 = arith.maximumf %max3A_108, %mul3A_105 : vector<16xf32>
      %convert_element_type3A_110 = arith.sitofp %jit3A_107 : i32 to f32
      %min3A_111 = vector.broadcast %convert_element_type3A_110 : f32 to vector<16xf32>
      %min3A_112 = arith.minimumf %min3A_111, %max3A_109 : vector<16xf32>
      %convert_element_type3A_113 = arith.fptosi %min3A_86 : vector<16xf32> to vector<16xi32>
      %convert_element_type3A_114 = arith.fptosi %min3A_99 : vector<16xf32> to vector<16xi32>
      %convert_element_type3A_115 = arith.fptosi %min3A_112 : vector<16xf32> to vector<16xi32>
      %convert_element_type3A_116 = arith.sitofp %convert_element_type3A_113 : vector<16xi32> to vector<16xf32>
      %sub3A = arith.subf %min3A_86, %convert_element_type3A_116 : vector<16xf32>
      %swap3A = arith.constant 0 : i32
      %swap3A_117 = arith.index_cast %swap3A : i32 to index
      %swap3A_118 = arith.index_cast %mul3A_72 : i32 to index
      %swap3A_119 = tpu.vector_load %arg18[%swap3A_117, %swap3A_118] {strides = array<i32>} : memref<3x2048xf32, #tpu.memory_space<vmem>>, vector<16xf32>,
      tpu.vector_store %arg18[%swap3A_117, %swap3A_118], %sub3A {strides = array<i32>} : memref<3x2048xf32, #tpu.memory_space<vmem>>, vector<16xf32>,
      %convert_element_type3A_120 = arith.sitofp %convert_element_type3A_114 : vector<16xi32> to vector<16xf32>
      %sub3A_121 = arith.subf %min3A_99, %convert_element_type3A_120 : vector<16xf32>
      %swap3A_122 = arith.constant 1 : i32
      %swap3A_123 = arith.index_cast %swap3A_122 : i32 to index
      %swap3A_124 = arith.index_cast %mul3A_72 : i32 to index
      %swap3A_125 = tpu.vector_load %arg18[%swap3A_123, %swap3A_124] {strides = array<i32>} : memref<3x2048xf32, #tpu.memory_space<vmem>>, vector<16xf32>,
      tpu.vector_store %arg18[%swap3A_123, %swap3A_124], %sub3A_121 {strides = array<i32>} : memref<3x2048xf32, #tpu.memory_space<vmem>>, vector<16xf32>,
      %convert_element_type3A_126 = arith.sitofp %convert_element_type3A_115 : vector<16xi32> to vector<16xf32>
      %sub3A_127 = arith.subf %min3A_112, %convert_element_type3A_126 : vector<16xf32>
      %swap3A_128 = arith.constant 2 : i32
      %swap3A_129 = arith.index_cast %swap3A_128 : i32 to index
      %swap3A_130 = arith.index_cast %mul3A_72 : i32 to index
      %swap3A_131 = tpu.vector_load %arg18[%swap3A_129, %swap3A_130] {strides = array<i32>} : memref<3x2048xf32, #tpu.memory_space<vmem>>, vector<16xf32>,
      tpu.vector_store %arg18[%swap3A_129, %swap3A_130], %sub3A_127 {strides = array<i32>} : memref<3x2048xf32, #tpu.memory_space<vmem>>, vector<16xf32>,
      %add3A_132 = arith.constant 1 : i32
      %add3A_133 = vector.broadcast %add3A_132 : i32 to vector<16xi32>
      %add3A_134 = arith.addi %convert_element_type3A_113, %add3A_133 : vector<16xi32>
      %min3A_135 = arith.constant 255 : i32
      %min3A_136 = vector.broadcast %min3A_135 : i32 to vector<16xi32>
      %min3A_137 = arith.minsi %add3A_134, %min3A_136 : vector<16xi32>
      %add3A_138 = arith.constant 1 : i32
      %add3A_139 = vector.broadcast %add3A_138 : i32 to vector<16xi32>
      %add3A_140 = arith.addi %convert_element_type3A_114, %add3A_139 : vector<16xi32>
      %min3A_141 = arith.constant 255 : i32
      %min3A_142 = vector.broadcast %min3A_141 : i32 to vector<16xi32>
      %min3A_143 = arith.minsi %add3A_140, %min3A_142 : vector<16xi32>
      %add3A_144 = arith.constant 1 : i32
      %add3A_145 = vector.broadcast %add3A_144 : i32 to vector<16xi32>
      %add3A_146 = arith.addi %convert_element_type3A_115, %add3A_145 : vector<16xi32>
      %min3A_147 = arith.constant 255 : i32
      %min3A_148 = vector.broadcast %min3A_147 : i32 to vector<16xi32>
      %min3A_149 = arith.minsi %add3A_146, %min3A_148 : vector<16xi32>
      %shift_right_arithmetic3A = arith.constant 7 : i32
      %shift_right_arithmetic3A_150 = vector.broadcast %shift_right_arithmetic3A : i32 to vector<16xi32>
      %shift_right_arithmetic3A_151 = arith.shrsi %convert_element_type3A_113, %shift_right_arithmetic3A_150 : vector<16xi32>
      %shift_left3A = arith.constant 10 : i32
      %shift_left3A_152 = vector.broadcast %shift_left3A : i32 to vector<16xi32>
      %shift_left3A_153 = arith.shli %shift_right_arithmetic3A_151, %shift_left3A_152 : vector<16xi32>
      %and3A = arith.constant 127 : i32
      %and3A_154 = vector.broadcast %and3A : i32 to vector<16xi32>
      %and3A_155 = arith.andi %convert_element_type3A_113, %and3A_154 : vector<16xi32>
      %add3A_156 = arith.addi %shift_left3A_153, %and3A_155 : vector<16xi32>
      %shift_right_arithmetic3A_157 = arith.constant 7 : i32
      %shift_right_arithmetic3A_158 = vector.broadcast %shift_right_arithmetic3A_157 : i32 to vector<16xi32>
      %shift_right_arithmetic3A_159 = arith.shrsi %min3A_137, %shift_right_arithmetic3A_158 : vector<16xi32>
      %shift_left3A_160 = arith.constant 10 : i32
      %shift_left3A_161 = vector.broadcast %shift_left3A_160 : i32 to vector<16xi32>
      %shift_left3A_162 = arith.shli %shift_right_arithmetic3A_159, %shift_left3A_161 : vector<16xi32>
      %and3A_163 = arith.constant 127 : i32
      %and3A_164 = vector.broadcast %and3A_163 : i32 to vector<16xi32>
      %and3A_165 = arith.andi %min3A_137, %and3A_164 : vector<16xi32>
      %add3A_166 = arith.addi %shift_left3A_162, %and3A_165 : vector<16xi32>
      %shift_right_arithmetic3A_167 = arith.constant 3 : i32
      %shift_right_arithmetic3A_168 = vector.broadcast %shift_right_arithmetic3A_167 : i32 to vector<16xi32>
      %shift_right_arithmetic3A_169 = arith.shrsi %convert_element_type3A_114, %shift_right_arithmetic3A_168 : vector<16xi32>
      %shift_left3A_170 = arith.constant 11 : i32
      %shift_left3A_171 = vector.broadcast %shift_left3A_170 : i32 to vector<16xi32>
      %shift_left3A_172 = arith.shli %shift_right_arithmetic3A_169, %shift_left3A_171 : vector<16xi32>
      %and3A_173 = arith.constant 7 : i32
      %and3A_174 = vector.broadcast %and3A_173 : i32 to vector<16xi32>
      %and3A_175 = arith.andi %convert_element_type3A_114, %and3A_174 : vector<16xi32>
      %shift_left3A_176 = arith.constant 7 : i32
      %shift_left3A_177 = vector.broadcast %shift_left3A_176 : i32 to vector<16xi32>
      %shift_left3A_178 = arith.shli %and3A_175, %shift_left3A_177 : vector<16xi32>
      %add3A_179 = arith.addi %shift_left3A_172, %shift_left3A_178 : vector<16xi32>
      %shift_right_arithmetic3A_180 = arith.constant 3 : i32
      %shift_right_arithmetic3A_181 = vector.broadcast %shift_right_arithmetic3A_180 : i32 to vector<16xi32>
      %shift_right_arithmetic3A_182 = arith.shrsi %min3A_143, %shift_right_arithmetic3A_181 : vector<16xi32>
      %shift_left3A_183 = arith.constant 11 : i32
      %shift_left3A_184 = vector.broadcast %shift_left3A_183 : i32 to vector<16xi32>
      %shift_left3A_185 = arith.shli %shift_right_arithmetic3A_182, %shift_left3A_184 : vector<16xi32>
      %and3A_186 = arith.constant 7 : i32
      %and3A_187 = vector.broadcast %and3A_186 : i32 to vector<16xi32>
      %and3A_188 = arith.andi %min3A_143, %and3A_187 : vector<16xi32>
      %shift_left3A_189 = arith.constant 7 : i32
      %shift_left3A_190 = vector.broadcast %shift_left3A_189 : i32 to vector<16xi32>
      %shift_left3A_191 = arith.shli %and3A_188, %shift_left3A_190 : vector<16xi32>
      %add3A_192 = arith.addi %shift_left3A_185, %shift_left3A_191 : vector<16xi32>
      %shift_left3A_193 = arith.constant 16 : i32
      %shift_left3A_194 = vector.broadcast %shift_left3A_193 : i32 to vector<16xi32>
      %shift_left3A_195 = arith.shli %convert_element_type3A_115, %shift_left3A_194 : vector<16xi32>
      %add3A_196 = arith.addi %shift_left3A_195, %add3A_179 : vector<16xi32>
      %shift_left3A_197 = arith.constant 16 : i32
      %shift_left3A_198 = vector.broadcast %shift_left3A_197 : i32 to vector<16xi32>
      %shift_left3A_199 = arith.shli %convert_element_type3A_115, %shift_left3A_198 : vector<16xi32>
      %add3A_200 = arith.addi %shift_left3A_199, %add3A_192 : vector<16xi32>
      %shift_left3A_201 = arith.constant 16 : i32
      %shift_left3A_202 = vector.broadcast %shift_left3A_201 : i32 to vector<16xi32>
      %shift_left3A_203 = arith.shli %min3A_149, %shift_left3A_202 : vector<16xi32>
      %add3A_204 = arith.addi %shift_left3A_203, %add3A_179 : vector<16xi32>
      %shift_left3A_205 = arith.constant 16 : i32
      %shift_left3A_206 = vector.broadcast %shift_left3A_205 : i32 to vector<16xi32>
      %shift_left3A_207 = arith.shli %min3A_149, %shift_left3A_206 : vector<16xi32>
      %add3A_208 = arith.addi %shift_left3A_207, %add3A_192 : vector<16xi32>
      %add3A_209 = arith.addi %add3A_196, %add3A_156 : vector<16xi32>
      %add3A_210 = arith.constant 0 : i32
      %add3A_211 = arith.addi %add3A_210, %mul3A_72 : i32
      %swap3A_212 = arith.index_cast %add3A_211 : i32 to index
      %swap3A_213 = tpu.vector_load %arg14[%swap3A_212] {strides = array<i32>} : memref<16384xi32, #tpu.memory_space<vmem>>, vector<16xi32>,
      tpu.vector_store %arg14[%swap3A_212], %add3A_209 {strides = array<i32>} : memref<16384xi32, #tpu.memory_space<vmem>>, vector<16xi32>,
      %add3A_214 = arith.addi %add3A_196, %add3A_166 : vector<16xi32>
      %add3A_215 = arith.constant 2048 : i32
      %add3A_216 = arith.addi %add3A_215, %mul3A_72 : i32
      %swap3A_217 = arith.index_cast %add3A_216 : i32 to index
      %swap3A_218 = tpu.vector_load %arg14[%swap3A_217] {strides = array<i32>} : memref<16384xi32, #tpu.memory_space<vmem>>, vector<16xi32>,
      tpu.vector_store %arg14[%swap3A_217], %add3A_214 {strides = array<i32>} : memref<16384xi32, #tpu.memory_space<vmem>>, vector<16xi32>,
      %add3A_219 = arith.addi %add3A_200, %add3A_156 : vector<16xi32>
      %add3A_220 = arith.constant 4096 : i32
      %add3A_221 = arith.addi %add3A_220, %mul3A_72 : i32
      %swap3A_222 = arith.index_cast %add3A_221 : i32 to index
      %swap3A_223 = tpu.vector_load %arg14[%swap3A_222] {strides = array<i32>} : memref<16384xi32, #tpu.memory_space<vmem>>, vector<16xi32>,
      tpu.vector_store %arg14[%swap3A_222], %add3A_219 {strides = array<i32>} : memref<16384xi32, #tpu.memory_space<vmem>>, vector<16xi32>,
      %add3A_224 = arith.addi %add3A_200, %add3A_166 : vector<16xi32>
      %add3A_225 = arith.constant 6144 : i32
      %add3A_226 = arith.addi %add3A_225, %mul3A_72 : i32
      %swap3A_227 = arith.index_cast %add3A_226 : i32 to index
      %swap3A_228 = tpu.vector_load %arg14[%swap3A_227] {strides = array<i32>} : memref<16384xi32, #tpu.memory_space<vmem>>, vector<16xi32>,
      tpu.vector_store %arg14[%swap3A_227], %add3A_224 {strides = array<i32>} : memref<16384xi32, #tpu.memory_space<vmem>>, vector<16xi32>,
      %add3A_229 = arith.addi %add3A_204, %add3A_156 : vector<16xi32>
      %add3A_230 = arith.constant 8192 : i32
      %add3A_231 = arith.addi %add3A_230, %mul3A_72 : i32
      %swap3A_232 = arith.index_cast %add3A_231 : i32 to index
      %swap3A_233 = tpu.vector_load %arg14[%swap3A_232] {strides = array<i32>} : memref<16384xi32, #tpu.memory_space<vmem>>, vector<16xi32>,
      tpu.vector_store %arg14[%swap3A_232], %add3A_229 {strides = array<i32>} : memref<16384xi32, #tpu.memory_space<vmem>>, vector<16xi32>,
      %add3A_234 = arith.addi %add3A_204, %add3A_166 : vector<16xi32>
      %add3A_235 = arith.constant 10240 : i32
      %add3A_236 = arith.addi %add3A_235, %mul3A_72 : i32
      %swap3A_237 = arith.index_cast %add3A_236 : i32 to index
      %swap3A_238 = tpu.vector_load %arg14[%swap3A_237] {strides = array<i32>} : memref<16384xi32, #tpu.memory_space<vmem>>, vector<16xi32>,
      tpu.vector_store %arg14[%swap3A_237], %add3A_234 {strides = array<i32>} : memref<16384xi32, #tpu.memory_space<vmem>>, vector<16xi32>,
      %add3A_239 = arith.addi %add3A_208, %add3A_156 : vector<16xi32>
      %add3A_240 = arith.constant 12288 : i32
      %add3A_241 = arith.addi %add3A_240, %mul3A_72 : i32
      %swap3A_242 = arith.index_cast %add3A_241 : i32 to index
      %swap3A_243 = tpu.vector_load %arg14[%swap3A_242] {strides = array<i32>} : memref<16384xi32, #tpu.memory_space<vmem>>, vector<16xi32>,
      tpu.vector_store %arg14[%swap3A_242], %add3A_239 {strides = array<i32>} : memref<16384xi32, #tpu.memory_space<vmem>>, vector<16xi32>,
      %add3A_244 = arith.addi %add3A_208, %add3A_166 : vector<16xi32>
      %add3A_245 = arith.constant 14336 : i32
      %add3A_246 = arith.addi %add3A_245, %mul3A_72 : i32
      %swap3A_247 = arith.index_cast %add3A_246 : i32 to index
      %swap3A_248 = tpu.vector_load %arg14[%swap3A_247] {strides = array<i32>} : memref<16384xi32, #tpu.memory_space<vmem>>, vector<16xi32>,
      tpu.vector_store %arg14[%swap3A_247], %add3A_244 {strides = array<i32>} : memref<16384xi32, #tpu.memory_space<vmem>>, vector<16xi32>,
    }
    %scan3A_53 = arith.constant 128 : i32
    %dma_start3A_54 = arith.constant 0 : i32
    %dma_start3A_55 = tpu.memref_slice %arg2[%dma_start3A_54] : memref<16777216xf32, #tpu.memory_space<hbm>> -> memref<16777216xf32, #tpu.memory_space<hbm>>
    tpu.enqueue_indirect_dma source(%dma_start3A_55 : memref<16777216xf32, #tpu.memory_space<hbm>>) target(%arg16 : memref<16384xf32, #tpu.memory_space<vmem>>) offsets(%arg14 : memref<16384xi32, #tpu.memory_space<vmem>>) semaphore(%arg24 : memref<!tpu.dma_semaphore, #tpu.memory_space<semaphore_mem>>)
    %scan3A_56 = arith.constant 0 : i32
    %scan3A_57 = arith.constant 0 : i32
    %scan3A_58 = arith.constant 8 : i32
    %scan3A_59 = arith.addi %scan3A_57, %scan3A_58 : i32
    %scan3A_60 = arith.constant 1 : i32
    scf.for %scan3A_70 = %scan3A_57 to %scan3A_59 step %scan3A_60  : i32 {
      %mul3A_71 = arith.constant 2 : i32
      %mul3A_72 = arith.muli %scan3A_70, %mul3A_71 : i32
      %add3A_73 = arith.constant 0 : i32
      %add3A_74 = arith.addi %mul3A_72, %add3A_73 : i32
      %add3A_75 = arith.constant 2 : i32
      %add3A_76 = arith.addi %add3A_74, %add3A_75 : i32
      %lt3A = arith.constant 16 : i32
      %lt3A_77 = arith.cmpi slt, %add3A_76, %lt3A : i32
      %convert_element_type3A = arith.extui %lt3A_77 : i1 to i32
      %cond3A = arith.constant 0 : i32
      %cond3A_78 = arith.cmpi ne, %convert_element_type3A, %cond3A : i32
      scf.if %cond3A_78 {
        %mul3A_135 = arith.constant 2048 : i32
        %mul3A_136 = arith.muli %add3A_76, %mul3A_135 : i32
        %add3A_137 = arith.addi %mul3A_2, %mul3A_136 : i32
        %dma_start3A_138 = tpu.memref_slice %arg3[%add3A_137] : memref<1048576xf32, #tpu.memory_space<hbm>> -> memref<2048xf32, #tpu.memory_space<hbm>>
        %dma_start3A_139 = tpu.memref_slice %arg3[%add3A_137] : memref<1048576xf32, #tpu.memory_space<hbm>> -> memref<2048xf32, #tpu.memory_space<hbm>>
        tpu.enqueue_dma source(%dma_start3A_139 : memref<2048xf32, #tpu.memory_space<hbm>>) target(%arg7 : memref<2048xf32, #tpu.memory_space<vmem>>) target_semaphore(%arg21 : memref<!tpu.dma_semaphore, #tpu.memory_space<semaphore_mem>>)
        %dma_start3A_140 = tpu.memref_slice %arg4[%add3A_137] : memref<1048576xf32, #tpu.memory_space<hbm>> -> memref<2048xf32, #tpu.memory_space<hbm>>
        %dma_start3A_141 = tpu.memref_slice %arg4[%add3A_137] : memref<1048576xf32, #tpu.memory_space<hbm>> -> memref<2048xf32, #tpu.memory_space<hbm>>
        tpu.enqueue_dma source(%dma_start3A_141 : memref<2048xf32, #tpu.memory_space<hbm>>) target(%arg9 : memref<2048xf32, #tpu.memory_space<vmem>>) target_semaphore(%arg21 : memref<!tpu.dma_semaphore, #tpu.memory_space<semaphore_mem>>)
        %dma_start3A_142 = tpu.memref_slice %arg5[%add3A_137] : memref<1048576xf32, #tpu.memory_space<hbm>> -> memref<2048xf32, #tpu.memory_space<hbm>>
        %dma_start3A_143 = tpu.memref_slice %arg5[%add3A_137] : memref<1048576xf32, #tpu.memory_space<hbm>> -> memref<2048xf32, #tpu.memory_space<hbm>>
        tpu.enqueue_dma source(%dma_start3A_143 : memref<2048xf32, #tpu.memory_space<hbm>>) target(%arg11 : memref<2048xf32, #tpu.memory_space<vmem>>) target_semaphore(%arg21 : memref<!tpu.dma_semaphore, #tpu.memory_space<semaphore_mem>>)
      } else {
      }
      %dma_wait3A_79 = arith.constant 0 : i32
      %dma_wait3A_80 = tpu.memref_slice %arg2[%dma_wait3A_79] : memref<16777216xf32, #tpu.memory_space<hbm>> -> memref<16777216xf32, #tpu.memory_space<hbm>>
      tpu.wait_indirect_dma semaphore(%arg23 : memref<!tpu.dma_semaphore, #tpu.memory_space<semaphore_mem>>) src(%dma_wait3A_80 : memref<16777216xf32, #tpu.memory_space<hbm>>) dst(%arg15 : memref<16384xf32, #tpu.memory_space<vmem>>)
      %ge3A = arith.constant 2 : i32
      %ge3A_81 = arith.cmpi sge, %add3A_74, %ge3A : i32
      %convert_element_type3A_82 = arith.extui %ge3A_81 : i1 to i32
      %cond3A_83 = arith.constant 0 : i32
      %cond3A_84 = arith.cmpi ne, %convert_element_type3A_82, %cond3A_83 : i32
      scf.if %cond3A_84 {
        %dma_wait3A_135 = arith.constant 0 : i32
        %dma_wait3A_136 = tpu.memref_slice %arg6[%dma_wait3A_135] : memref<1048576xf32, #tpu.memory_space<hbm>> -> memref<2048xf32, #tpu.memory_space<hbm>>
        %dma_wait3A_137 = arith.constant 0 : i32
        %dma_wait3A_138 = tpu.memref_slice %arg6[%dma_wait3A_137] : memref<1048576xf32, #tpu.memory_space<hbm>> -> memref<2048xf32, #tpu.memory_space<hbm>>
        tpu.wait_dma2 semaphore(%arg25 : memref<!tpu.dma_semaphore, #tpu.memory_space<semaphore_mem>>) src(%arg19 : memref<2048xf32, #tpu.memory_space<vmem>>) dst(%dma_wait3A_138 : memref<2048xf32, #tpu.memory_space<hbm>>)
      } else {
      }
      %scan3A_85 = arith.constant 0 : i32
      %scan3A_86 = arith.constant 0 : i32
      %scan3A_87 = arith.constant 128 : i32
      %scan3A_88 = arith.addi %scan3A_86, %scan3A_87 : i32
      %scan3A_89 = arith.constant 1 : i32
      scf.for %scan3A_135 = %scan3A_86 to %scan3A_88 step %scan3A_89  : i32 {
        %mul3A_136 = arith.constant 16 : i32
        %mul3A_137 = arith.muli %scan3A_135, %mul3A_136 : i32
        %add3A_138 = arith.constant 0 : i32
        %add3A_139 = arith.addi %add3A_138, %mul3A_137 : i32
        %get3A = arith.index_cast %add3A_139 : i32 to index
        %get3A_140 = tpu.vector_load %arg15[%get3A] {strides = array<i32>} : memref<16384xf32, #tpu.memory_space<vmem>>, vector<16xf32>,
        %add3A_141 = arith.constant 2048 : i32
        %add3A_142 = arith.addi %add3A_141, %mul3A_137 : i32
        %get3A_143 = arith.index_cast %add3A_142 : i32 to index
        %get3A_144 = tpu.vector_load %arg15[%get3A_143] {strides = array<i32>} : memref<16384xf32, #tpu.memory_space<vmem>>, vector<16xf32>,
        %add3A_145 = arith.constant 4096 : i32
        %add3A_146 = arith.addi %add3A_145, %mul3A_137 : i32
        %get3A_147 = arith.index_cast %add3A_146 : i32 to index
        %get3A_148 = tpu.vector_load %arg15[%get3A_147] {strides = array<i32>} : memref<16384xf32, #tpu.memory_space<vmem>>, vector<16xf32>,
        %add3A_149 = arith.constant 6144 : i32
        %add3A_150 = arith.addi %add3A_149, %mul3A_137 : i32
        %get3A_151 = arith.index_cast %add3A_150 : i32 to index
        %get3A_152 = tpu.vector_load %arg15[%get3A_151] {strides = array<i32>} : memref<16384xf32, #tpu.memory_space<vmem>>, vector<16xf32>,
        %add3A_153 = arith.constant 8192 : i32
        %add3A_154 = arith.addi %add3A_153, %mul3A_137 : i32
        %get3A_155 = arith.index_cast %add3A_154 : i32 to index
        %get3A_156 = tpu.vector_load %arg15[%get3A_155] {strides = array<i32>} : memref<16384xf32, #tpu.memory_space<vmem>>, vector<16xf32>,
        %add3A_157 = arith.constant 10240 : i32
        %add3A_158 = arith.addi %add3A_157, %mul3A_137 : i32
        %get3A_159 = arith.index_cast %add3A_158 : i32 to index
        %get3A_160 = tpu.vector_load %arg15[%get3A_159] {strides = array<i32>} : memref<16384xf32, #tpu.memory_space<vmem>>, vector<16xf32>,
        %add3A_161 = arith.constant 12288 : i32
        %add3A_162 = arith.addi %add3A_161, %mul3A_137 : i32
        %get3A_163 = arith.index_cast %add3A_162 : i32 to index
        %get3A_164 = tpu.vector_load %arg15[%get3A_163] {strides = array<i32>} : memref<16384xf32, #tpu.memory_space<vmem>>, vector<16xf32>,
        %add3A_165 = arith.constant 14336 : i32
        %add3A_166 = arith.addi %add3A_165, %mul3A_137 : i32
        %get3A_167 = arith.index_cast %add3A_166 : i32 to index
        %get3A_168 = tpu.vector_load %arg15[%get3A_167] {strides = array<i32>} : memref<16384xf32, #tpu.memory_space<vmem>>, vector<16xf32>,
        %get3A_169 = arith.constant 0 : i32
        %get3A_170 = arith.index_cast %get3A_169 : i32 to index
        %get3A_171 = arith.index_cast %mul3A_137 : i32 to index
        %get3A_172 = tpu.vector_load %arg17[%get3A_170, %get3A_171] {strides = array<i32>} : memref<3x2048xf32, #tpu.memory_space<vmem>>, vector<16xf32>,
        %get3A_173 = arith.constant 1 : i32
        %get3A_174 = arith.index_cast %get3A_173 : i32 to index
        %get3A_175 = arith.index_cast %mul3A_137 : i32 to index
        %get3A_176 = tpu.vector_load %arg17[%get3A_174, %get3A_175] {strides = array<i32>} : memref<3x2048xf32, #tpu.memory_space<vmem>>, vector<16xf32>,
        %get3A_177 = arith.constant 2 : i32
        %get3A_178 = arith.index_cast %get3A_177 : i32 to index
        %get3A_179 = arith.index_cast %mul3A_137 : i32 to index
        %get3A_180 = tpu.vector_load %arg17[%get3A_178, %get3A_179] {strides = array<i32>} : memref<3x2048xf32, #tpu.memory_space<vmem>>, vector<16xf32>,
        %sub3A = arith.subf %get3A_144, %get3A_140 : vector<16xf32>
        %mul3A_181 = arith.mulf %get3A_172, %sub3A : vector<16xf32>
        %add3A_182 = arith.addf %get3A_140, %mul3A_181 : vector<16xf32>
        %sub3A_183 = arith.subf %get3A_152, %get3A_148 : vector<16xf32>
        %mul3A_184 = arith.mulf %get3A_172, %sub3A_183 : vector<16xf32>
        %add3A_185 = arith.addf %get3A_148, %mul3A_184 : vector<16xf32>
        %sub3A_186 = arith.subf %get3A_160, %get3A_156 : vector<16xf32>
        %mul3A_187 = arith.mulf %get3A_172, %sub3A_186 : vector<16xf32>
        %add3A_188 = arith.addf %get3A_156, %mul3A_187 : vector<16xf32>
        %sub3A_189 = arith.subf %get3A_168, %get3A_164 : vector<16xf32>
        %mul3A_190 = arith.mulf %get3A_172, %sub3A_189 : vector<16xf32>
        %add3A_191 = arith.addf %get3A_164, %mul3A_190 : vector<16xf32>
        %sub3A_192 = arith.subf %add3A_185, %add3A_182 : vector<16xf32>
        %mul3A_193 = arith.mulf %get3A_176, %sub3A_192 : vector<16xf32>
        %add3A_194 = arith.addf %add3A_182, %mul3A_193 : vector<16xf32>
        %sub3A_195 = arith.subf %add3A_191, %add3A_188 : vector<16xf32>
        %mul3A_196 = arith.mulf %get3A_176, %sub3A_195 : vector<16xf32>
        %add3A_197 = arith.addf %add3A_188, %mul3A_196 : vector<16xf32>
        %sub3A_198 = arith.subf %add3A_197, %add3A_194 : vector<16xf32>
        %mul3A_199 = arith.mulf %get3A_180, %sub3A_198 : vector<16xf32>
        %add3A_200 = arith.addf %add3A_194, %mul3A_199 : vector<16xf32>
        %swap3A = arith.index_cast %mul3A_137 : i32 to index
        %swap3A_201 = tpu.vector_load %arg19[%swap3A] {strides = array<i32>} : memref<2048xf32, #tpu.memory_space<vmem>>, vector<16xf32>,
        tpu.vector_store %arg19[%swap3A], %add3A_200 {strides = array<i32>} : memref<2048xf32, #tpu.memory_space<vmem>>, vector<16xf32>,
      }
      %scan3A_90 = arith.constant 128 : i32
      %mul3A_91 = arith.constant 2048 : i32
      %mul3A_92 = arith.muli %add3A_74, %mul3A_91 : i32
      %add3A_93 = arith.addi %mul3A_2, %mul3A_92 : i32
      %dma_start3A_94 = tpu.memref_slice %arg6[%add3A_93] : memref<1048576xf32, #tpu.memory_space<hbm>> -> memref<2048xf32, #tpu.memory_space<hbm>>
      %dma_start3A_95 = tpu.memref_slice %arg6[%add3A_93] : memref<1048576xf32, #tpu.memory_space<hbm>> -> memref<2048xf32, #tpu.memory_space<hbm>>
      tpu.enqueue_dma source(%arg19 : memref<2048xf32, #tpu.memory_space<vmem>>) target(%dma_start3A_95 : memref<2048xf32, #tpu.memory_space<hbm>>) target_semaphore(%arg25 : memref<!tpu.dma_semaphore, #tpu.memory_space<semaphore_mem>>)
      %lt3A_96 = arith.constant 16 : i32
      %lt3A_97 = arith.cmpi slt, %add3A_76, %lt3A_96 : i32
      %convert_element_type3A_98 = arith.extui %lt3A_97 : i1 to i32
      %cond3A_99 = arith.constant 0 : i32
      %cond3A_100 = arith.cmpi ne, %convert_element_type3A_98, %cond3A_99 : i32
      scf.if %cond3A_100 {
        %dma_wait3A_135 = arith.constant 0 : i32
        %dma_wait3A_136 = tpu.memref_slice %arg3[%dma_wait3A_135] : memref<1048576xf32, #tpu.memory_space<hbm>> -> memref<2048xf32, #tpu.memory_space<hbm>>
        %dma_wait3A_137 = arith.constant 0 : i32
        %dma_wait3A_138 = tpu.memref_slice %arg3[%dma_wait3A_137] : memref<1048576xf32, #tpu.memory_space<hbm>> -> memref<2048xf32, #tpu.memory_space<hbm>>
        tpu.wait_dma2 semaphore(%arg21 : memref<!tpu.dma_semaphore, #tpu.memory_space<semaphore_mem>>) src(%dma_wait3A_138 : memref<2048xf32, #tpu.memory_space<hbm>>) dst(%arg7 : memref<2048xf32, #tpu.memory_space<vmem>>)
        %dma_wait3A_139 = arith.constant 0 : i32
        %dma_wait3A_140 = tpu.memref_slice %arg4[%dma_wait3A_139] : memref<1048576xf32, #tpu.memory_space<hbm>> -> memref<2048xf32, #tpu.memory_space<hbm>>
        %dma_wait3A_141 = arith.constant 0 : i32
        %dma_wait3A_142 = tpu.memref_slice %arg4[%dma_wait3A_141] : memref<1048576xf32, #tpu.memory_space<hbm>> -> memref<2048xf32, #tpu.memory_space<hbm>>
        tpu.wait_dma2 semaphore(%arg21 : memref<!tpu.dma_semaphore, #tpu.memory_space<semaphore_mem>>) src(%dma_wait3A_142 : memref<2048xf32, #tpu.memory_space<hbm>>) dst(%arg9 : memref<2048xf32, #tpu.memory_space<vmem>>)
        %dma_wait3A_143 = arith.constant 0 : i32
        %dma_wait3A_144 = tpu.memref_slice %arg5[%dma_wait3A_143] : memref<1048576xf32, #tpu.memory_space<hbm>> -> memref<2048xf32, #tpu.memory_space<hbm>>
        %dma_wait3A_145 = arith.constant 0 : i32
        %dma_wait3A_146 = tpu.memref_slice %arg5[%dma_wait3A_145] : memref<1048576xf32, #tpu.memory_space<hbm>> -> memref<2048xf32, #tpu.memory_space<hbm>>
        tpu.wait_dma2 semaphore(%arg21 : memref<!tpu.dma_semaphore, #tpu.memory_space<semaphore_mem>>) src(%dma_wait3A_146 : memref<2048xf32, #tpu.memory_space<hbm>>) dst(%arg11 : memref<2048xf32, #tpu.memory_space<vmem>>)
        %scan3A_147 = arith.constant 0 : i32
        %scan3A_148 = arith.constant 0 : i32
        %scan3A_149 = arith.constant 128 : i32
        %scan3A_150 = arith.addi %scan3A_148, %scan3A_149 : i32
        %scan3A_151 = arith.constant 1 : i32
        scf.for %scan3A_155 = %scan3A_148 to %scan3A_150 step %scan3A_151  : i32 {
          %mul3A_156 = arith.constant 16 : i32
          %mul3A_157 = arith.muli %scan3A_155, %mul3A_156 : i32
          %get3A = arith.index_cast %mul3A_157 : i32 to index
          %get3A_158 = tpu.vector_load %arg7[%get3A] {strides = array<i32>} : memref<2048xf32, #tpu.memory_space<vmem>>, vector<16xf32>,
          %get3A_159 = arith.index_cast %mul3A_157 : i32 to index
          %get3A_160 = tpu.vector_load %arg9[%get3A_159] {strides = array<i32>} : memref<2048xf32, #tpu.memory_space<vmem>>, vector<16xf32>,
          %get3A_161 = arith.index_cast %mul3A_157 : i32 to index
          %get3A_162 = tpu.vector_load %arg11[%get3A_161] {strides = array<i32>} : memref<2048xf32, #tpu.memory_space<vmem>>, vector<16xf32>,
          %add3A_163 = arith.constant 1.000000e+00 : f32
          %add3A_164 = vector.broadcast %add3A_163 : f32 to vector<16xf32>
          %add3A_165 = arith.addf %get3A_158, %add3A_164 : vector<16xf32>
          %mul3A_166 = arith.constant 1.275000e+02 : f32
          %mul3A_167 = vector.broadcast %mul3A_166 : f32 to vector<16xf32>
          %mul3A_168 = arith.mulf %add3A_165, %mul3A_167 : vector<16xf32>
          %jit3A = arith.constant 0.000000e+00 : f32
          %jit3A_169 = arith.constant 255 : i32
          %max3A = vector.broadcast %jit3A : f32 to vector<16xf32>
          %max3A_170 = arith.maximumf %max3A, %mul3A_168 : vector<16xf32>
          %convert_element_type3A_171 = arith.sitofp %jit3A_169 : i32 to f32
          %min3A = vector.broadcast %convert_element_type3A_171 : f32 to vector<16xf32>
          %min3A_172 = arith.minimumf %min3A, %max3A_170 : vector<16xf32>
          %add3A_173 = arith.constant 1.000000e+00 : f32
          %add3A_174 = vector.broadcast %add3A_173 : f32 to vector<16xf32>
          %add3A_175 = arith.addf %get3A_160, %add3A_174 : vector<16xf32>
          %mul3A_176 = arith.constant 1.275000e+02 : f32
          %mul3A_177 = vector.broadcast %mul3A_176 : f32 to vector<16xf32>
          %mul3A_178 = arith.mulf %add3A_175, %mul3A_177 : vector<16xf32>
          %jit3A_179 = arith.constant 0.000000e+00 : f32
          %jit3A_180 = arith.constant 255 : i32
          %max3A_181 = vector.broadcast %jit3A_179 : f32 to vector<16xf32>
          %max3A_182 = arith.maximumf %max3A_181, %mul3A_178 : vector<16xf32>
          %convert_element_type3A_183 = arith.sitofp %jit3A_180 : i32 to f32
          %min3A_184 = vector.broadcast %convert_element_type3A_183 : f32 to vector<16xf32>
          %min3A_185 = arith.minimumf %min3A_184, %max3A_182 : vector<16xf32>
          %add3A_186 = arith.constant 1.000000e+00 : f32
          %add3A_187 = vector.broadcast %add3A_186 : f32 to vector<16xf32>
          %add3A_188 = arith.addf %get3A_162, %add3A_187 : vector<16xf32>
          %mul3A_189 = arith.constant 1.275000e+02 : f32
          %mul3A_190 = vector.broadcast %mul3A_189 : f32 to vector<16xf32>
          %mul3A_191 = arith.mulf %add3A_188, %mul3A_190 : vector<16xf32>
          %jit3A_192 = arith.constant 0.000000e+00 : f32
          %jit3A_193 = arith.constant 255 : i32
          %max3A_194 = vector.broadcast %jit3A_192 : f32 to vector<16xf32>
          %max3A_195 = arith.maximumf %max3A_194, %mul3A_191 : vector<16xf32>
          %convert_element_type3A_196 = arith.sitofp %jit3A_193 : i32 to f32
          %min3A_197 = vector.broadcast %convert_element_type3A_196 : f32 to vector<16xf32>
          %min3A_198 = arith.minimumf %min3A_197, %max3A_195 : vector<16xf32>
          %convert_element_type3A_199 = arith.fptosi %min3A_172 : vector<16xf32> to vector<16xi32>
          %convert_element_type3A_200 = arith.fptosi %min3A_185 : vector<16xf32> to vector<16xi32>
          %convert_element_type3A_201 = arith.fptosi %min3A_198 : vector<16xf32> to vector<16xi32>
          %convert_element_type3A_202 = arith.sitofp %convert_element_type3A_199 : vector<16xi32> to vector<16xf32>
          %sub3A = arith.subf %min3A_172, %convert_element_type3A_202 : vector<16xf32>
          %swap3A = arith.constant 0 : i32
          %swap3A_203 = arith.index_cast %swap3A : i32 to index
          %swap3A_204 = arith.index_cast %mul3A_157 : i32 to index
          %swap3A_205 = tpu.vector_load %arg17[%swap3A_203, %swap3A_204] {strides = array<i32>} : memref<3x2048xf32, #tpu.memory_space<vmem>>, vector<16xf32>,
          tpu.vector_store %arg17[%swap3A_203, %swap3A_204], %sub3A {strides = array<i32>} : memref<3x2048xf32, #tpu.memory_space<vmem>>, vector<16xf32>,
          %convert_element_type3A_206 = arith.sitofp %convert_element_type3A_200 : vector<16xi32> to vector<16xf32>
          %sub3A_207 = arith.subf %min3A_185, %convert_element_type3A_206 : vector<16xf32>
          %swap3A_208 = arith.constant 1 : i32
          %swap3A_209 = arith.index_cast %swap3A_208 : i32 to index
          %swap3A_210 = arith.index_cast %mul3A_157 : i32 to index
          %swap3A_211 = tpu.vector_load %arg17[%swap3A_209, %swap3A_210] {strides = array<i32>} : memref<3x2048xf32, #tpu.memory_space<vmem>>, vector<16xf32>,
          tpu.vector_store %arg17[%swap3A_209, %swap3A_210], %sub3A_207 {strides = array<i32>} : memref<3x2048xf32, #tpu.memory_space<vmem>>, vector<16xf32>,
          %convert_element_type3A_212 = arith.sitofp %convert_element_type3A_201 : vector<16xi32> to vector<16xf32>
          %sub3A_213 = arith.subf %min3A_198, %convert_element_type3A_212 : vector<16xf32>
          %swap3A_214 = arith.constant 2 : i32
          %swap3A_215 = arith.index_cast %swap3A_214 : i32 to index
          %swap3A_216 = arith.index_cast %mul3A_157 : i32 to index
          %swap3A_217 = tpu.vector_load %arg17[%swap3A_215, %swap3A_216] {strides = array<i32>} : memref<3x2048xf32, #tpu.memory_space<vmem>>, vector<16xf32>,
          tpu.vector_store %arg17[%swap3A_215, %swap3A_216], %sub3A_213 {strides = array<i32>} : memref<3x2048xf32, #tpu.memory_space<vmem>>, vector<16xf32>,
          %add3A_218 = arith.constant 1 : i32
          %add3A_219 = vector.broadcast %add3A_218 : i32 to vector<16xi32>
          %add3A_220 = arith.addi %convert_element_type3A_199, %add3A_219 : vector<16xi32>
          %min3A_221 = arith.constant 255 : i32
          %min3A_222 = vector.broadcast %min3A_221 : i32 to vector<16xi32>
          %min3A_223 = arith.minsi %add3A_220, %min3A_222 : vector<16xi32>
          %add3A_224 = arith.constant 1 : i32
          %add3A_225 = vector.broadcast %add3A_224 : i32 to vector<16xi32>
          %add3A_226 = arith.addi %convert_element_type3A_200, %add3A_225 : vector<16xi32>
          %min3A_227 = arith.constant 255 : i32
          %min3A_228 = vector.broadcast %min3A_227 : i32 to vector<16xi32>
          %min3A_229 = arith.minsi %add3A_226, %min3A_228 : vector<16xi32>
          %add3A_230 = arith.constant 1 : i32
          %add3A_231 = vector.broadcast %add3A_230 : i32 to vector<16xi32>
          %add3A_232 = arith.addi %convert_element_type3A_201, %add3A_231 : vector<16xi32>
          %min3A_233 = arith.constant 255 : i32
          %min3A_234 = vector.broadcast %min3A_233 : i32 to vector<16xi32>
          %min3A_235 = arith.minsi %add3A_232, %min3A_234 : vector<16xi32>
          %shift_right_arithmetic3A = arith.constant 7 : i32
          %shift_right_arithmetic3A_236 = vector.broadcast %shift_right_arithmetic3A : i32 to vector<16xi32>
          %shift_right_arithmetic3A_237 = arith.shrsi %convert_element_type3A_199, %shift_right_arithmetic3A_236 : vector<16xi32>
          %shift_left3A = arith.constant 10 : i32
          %shift_left3A_238 = vector.broadcast %shift_left3A : i32 to vector<16xi32>
          %shift_left3A_239 = arith.shli %shift_right_arithmetic3A_237, %shift_left3A_238 : vector<16xi32>
          %and3A = arith.constant 127 : i32
          %and3A_240 = vector.broadcast %and3A : i32 to vector<16xi32>
          %and3A_241 = arith.andi %convert_element_type3A_199, %and3A_240 : vector<16xi32>
          %add3A_242 = arith.addi %shift_left3A_239, %and3A_241 : vector<16xi32>
          %shift_right_arithmetic3A_243 = arith.constant 7 : i32
          %shift_right_arithmetic3A_244 = vector.broadcast %shift_right_arithmetic3A_243 : i32 to vector<16xi32>
          %shift_right_arithmetic3A_245 = arith.shrsi %min3A_223, %shift_right_arithmetic3A_244 : vector<16xi32>
          %shift_left3A_246 = arith.constant 10 : i32
          %shift_left3A_247 = vector.broadcast %shift_left3A_246 : i32 to vector<16xi32>
          %shift_left3A_248 = arith.shli %shift_right_arithmetic3A_245, %shift_left3A_247 : vector<16xi32>
          %and3A_249 = arith.constant 127 : i32
          %and3A_250 = vector.broadcast %and3A_249 : i32 to vector<16xi32>
          %and3A_251 = arith.andi %min3A_223, %and3A_250 : vector<16xi32>
          %add3A_252 = arith.addi %shift_left3A_248, %and3A_251 : vector<16xi32>
          %shift_right_arithmetic3A_253 = arith.constant 3 : i32
          %shift_right_arithmetic3A_254 = vector.broadcast %shift_right_arithmetic3A_253 : i32 to vector<16xi32>
          %shift_right_arithmetic3A_255 = arith.shrsi %convert_element_type3A_200, %shift_right_arithmetic3A_254 : vector<16xi32>
          %shift_left3A_256 = arith.constant 11 : i32
          %shift_left3A_257 = vector.broadcast %shift_left3A_256 : i32 to vector<16xi32>
          %shift_left3A_258 = arith.shli %shift_right_arithmetic3A_255, %shift_left3A_257 : vector<16xi32>
          %and3A_259 = arith.constant 7 : i32
          %and3A_260 = vector.broadcast %and3A_259 : i32 to vector<16xi32>
          %and3A_261 = arith.andi %convert_element_type3A_200, %and3A_260 : vector<16xi32>
          %shift_left3A_262 = arith.constant 7 : i32
          %shift_left3A_263 = vector.broadcast %shift_left3A_262 : i32 to vector<16xi32>
          %shift_left3A_264 = arith.shli %and3A_261, %shift_left3A_263 : vector<16xi32>
          %add3A_265 = arith.addi %shift_left3A_258, %shift_left3A_264 : vector<16xi32>
          %shift_right_arithmetic3A_266 = arith.constant 3 : i32
          %shift_right_arithmetic3A_267 = vector.broadcast %shift_right_arithmetic3A_266 : i32 to vector<16xi32>
          %shift_right_arithmetic3A_268 = arith.shrsi %min3A_229, %shift_right_arithmetic3A_267 : vector<16xi32>
          %shift_left3A_269 = arith.constant 11 : i32
          %shift_left3A_270 = vector.broadcast %shift_left3A_269 : i32 to vector<16xi32>
          %shift_left3A_271 = arith.shli %shift_right_arithmetic3A_268, %shift_left3A_270 : vector<16xi32>
          %and3A_272 = arith.constant 7 : i32
          %and3A_273 = vector.broadcast %and3A_272 : i32 to vector<16xi32>
          %and3A_274 = arith.andi %min3A_229, %and3A_273 : vector<16xi32>
          %shift_left3A_275 = arith.constant 7 : i32
          %shift_left3A_276 = vector.broadcast %shift_left3A_275 : i32 to vector<16xi32>
          %shift_left3A_277 = arith.shli %and3A_274, %shift_left3A_276 : vector<16xi32>
          %add3A_278 = arith.addi %shift_left3A_271, %shift_left3A_277 : vector<16xi32>
          %shift_left3A_279 = arith.constant 16 : i32
          %shift_left3A_280 = vector.broadcast %shift_left3A_279 : i32 to vector<16xi32>
          %shift_left3A_281 = arith.shli %convert_element_type3A_201, %shift_left3A_280 : vector<16xi32>
          %add3A_282 = arith.addi %shift_left3A_281, %add3A_265 : vector<16xi32>
          %shift_left3A_283 = arith.constant 16 : i32
          %shift_left3A_284 = vector.broadcast %shift_left3A_283 : i32 to vector<16xi32>
          %shift_left3A_285 = arith.shli %convert_element_type3A_201, %shift_left3A_284 : vector<16xi32>
          %add3A_286 = arith.addi %shift_left3A_285, %add3A_278 : vector<16xi32>
          %shift_left3A_287 = arith.constant 16 : i32
          %shift_left3A_288 = vector.broadcast %shift_left3A_287 : i32 to vector<16xi32>
          %shift_left3A_289 = arith.shli %min3A_235, %shift_left3A_288 : vector<16xi32>
          %add3A_290 = arith.addi %shift_left3A_289, %add3A_265 : vector<16xi32>
          %shift_left3A_291 = arith.constant 16 : i32
          %shift_left3A_292 = vector.broadcast %shift_left3A_291 : i32 to vector<16xi32>
          %shift_left3A_293 = arith.shli %min3A_235, %shift_left3A_292 : vector<16xi32>
          %add3A_294 = arith.addi %shift_left3A_293, %add3A_278 : vector<16xi32>
          %add3A_295 = arith.addi %add3A_282, %add3A_242 : vector<16xi32>
          %add3A_296 = arith.constant 0 : i32
          %add3A_297 = arith.addi %add3A_296, %mul3A_157 : i32
          %swap3A_298 = arith.index_cast %add3A_297 : i32 to index
          %swap3A_299 = tpu.vector_load %arg13[%swap3A_298] {strides = array<i32>} : memref<16384xi32, #tpu.memory_space<vmem>>, vector<16xi32>,
          tpu.vector_store %arg13[%swap3A_298], %add3A_295 {strides = array<i32>} : memref<16384xi32, #tpu.memory_space<vmem>>, vector<16xi32>,
          %add3A_300 = arith.addi %add3A_282, %add3A_252 : vector<16xi32>
          %add3A_301 = arith.constant 2048 : i32
          %add3A_302 = arith.addi %add3A_301, %mul3A_157 : i32
          %swap3A_303 = arith.index_cast %add3A_302 : i32 to index
          %swap3A_304 = tpu.vector_load %arg13[%swap3A_303] {strides = array<i32>} : memref<16384xi32, #tpu.memory_space<vmem>>, vector<16xi32>,
          tpu.vector_store %arg13[%swap3A_303], %add3A_300 {strides = array<i32>} : memref<16384xi32, #tpu.memory_space<vmem>>, vector<16xi32>,
          %add3A_305 = arith.addi %add3A_286, %add3A_242 : vector<16xi32>
          %add3A_306 = arith.constant 4096 : i32
          %add3A_307 = arith.addi %add3A_306, %mul3A_157 : i32
          %swap3A_308 = arith.index_cast %add3A_307 : i32 to index
          %swap3A_309 = tpu.vector_load %arg13[%swap3A_308] {strides = array<i32>} : memref<16384xi32, #tpu.memory_space<vmem>>, vector<16xi32>,
          tpu.vector_store %arg13[%swap3A_308], %add3A_305 {strides = array<i32>} : memref<16384xi32, #tpu.memory_space<vmem>>, vector<16xi32>,
          %add3A_310 = arith.addi %add3A_286, %add3A_252 : vector<16xi32>
          %add3A_311 = arith.constant 6144 : i32
          %add3A_312 = arith.addi %add3A_311, %mul3A_157 : i32
          %swap3A_313 = arith.index_cast %add3A_312 : i32 to index
          %swap3A_314 = tpu.vector_load %arg13[%swap3A_313] {strides = array<i32>} : memref<16384xi32, #tpu.memory_space<vmem>>, vector<16xi32>,
          tpu.vector_store %arg13[%swap3A_313], %add3A_310 {strides = array<i32>} : memref<16384xi32, #tpu.memory_space<vmem>>, vector<16xi32>,
          %add3A_315 = arith.addi %add3A_290, %add3A_242 : vector<16xi32>
          %add3A_316 = arith.constant 8192 : i32
          %add3A_317 = arith.addi %add3A_316, %mul3A_157 : i32
          %swap3A_318 = arith.index_cast %add3A_317 : i32 to index
          %swap3A_319 = tpu.vector_load %arg13[%swap3A_318] {strides = array<i32>} : memref<16384xi32, #tpu.memory_space<vmem>>, vector<16xi32>,
          tpu.vector_store %arg13[%swap3A_318], %add3A_315 {strides = array<i32>} : memref<16384xi32, #tpu.memory_space<vmem>>, vector<16xi32>,
          %add3A_320 = arith.addi %add3A_290, %add3A_252 : vector<16xi32>
          %add3A_321 = arith.constant 10240 : i32
          %add3A_322 = arith.addi %add3A_321, %mul3A_157 : i32
          %swap3A_323 = arith.index_cast %add3A_322 : i32 to index
          %swap3A_324 = tpu.vector_load %arg13[%swap3A_323] {strides = array<i32>} : memref<16384xi32, #tpu.memory_space<vmem>>, vector<16xi32>,
          tpu.vector_store %arg13[%swap3A_323], %add3A_320 {strides = array<i32>} : memref<16384xi32, #tpu.memory_space<vmem>>, vector<16xi32>,
          %add3A_325 = arith.addi %add3A_294, %add3A_242 : vector<16xi32>
          %add3A_326 = arith.constant 12288 : i32
          %add3A_327 = arith.addi %add3A_326, %mul3A_157 : i32
          %swap3A_328 = arith.index_cast %add3A_327 : i32 to index
          %swap3A_329 = tpu.vector_load %arg13[%swap3A_328] {strides = array<i32>} : memref<16384xi32, #tpu.memory_space<vmem>>, vector<16xi32>,
          tpu.vector_store %arg13[%swap3A_328], %add3A_325 {strides = array<i32>} : memref<16384xi32, #tpu.memory_space<vmem>>, vector<16xi32>,
          %add3A_330 = arith.addi %add3A_294, %add3A_252 : vector<16xi32>
          %add3A_331 = arith.constant 14336 : i32
          %add3A_332 = arith.addi %add3A_331, %mul3A_157 : i32
          %swap3A_333 = arith.index_cast %add3A_332 : i32 to index
          %swap3A_334 = tpu.vector_load %arg13[%swap3A_333] {strides = array<i32>} : memref<16384xi32, #tpu.memory_space<vmem>>, vector<16xi32>,
          tpu.vector_store %arg13[%swap3A_333], %add3A_330 {strides = array<i32>} : memref<16384xi32, #tpu.memory_space<vmem>>, vector<16xi32>,
        }
        %scan3A_152 = arith.constant 128 : i32
        %dma_start3A_153 = arith.constant 0 : i32
        %dma_start3A_154 = tpu.memref_slice %arg2[%dma_start3A_153] : memref<16777216xf32, #tpu.memory_space<hbm>> -> memref<16777216xf32, #tpu.memory_space<hbm>>
        tpu.enqueue_indirect_dma source(%dma_start3A_154 : memref<16777216xf32, #tpu.memory_space<hbm>>) target(%arg15 : memref<16384xf32, #tpu.memory_space<vmem>>) offsets(%arg13 : memref<16384xi32, #tpu.memory_space<vmem>>) semaphore(%arg23 : memref<!tpu.dma_semaphore, #tpu.memory_space<semaphore_mem>>)
      } else {
      }
      %mul3A_101 = arith.constant 2 : i32
      %mul3A_102 = arith.muli %scan3A_70, %mul3A_101 : i32
      %add3A_103 = arith.constant 1 : i32
      %add3A_104 = arith.addi %mul3A_102, %add3A_103 : i32
      %add3A_105 = arith.constant 2 : i32
      %add3A_106 = arith.addi %add3A_104, %add3A_105 : i32
      %lt3A_107 = arith.constant 16 : i32
      %lt3A_108 = arith.cmpi slt, %add3A_106, %lt3A_107 : i32
      %convert_element_type3A_109 = arith.extui %lt3A_108 : i1 to i32
      %cond3A_110 = arith.constant 0 : i32
      %cond3A_111 = arith.cmpi ne, %convert_element_type3A_109, %cond3A_110 : i32
      scf.if %cond3A_111 {
        %mul3A_135 = arith.constant 2048 : i32
        %mul3A_136 = arith.muli %add3A_106, %mul3A_135 : i32
        %add3A_137 = arith.addi %mul3A_2, %mul3A_136 : i32
        %dma_start3A_138 = tpu.memref_slice %arg3[%add3A_137] : memref<1048576xf32, #tpu.memory_space<hbm>> -> memref<2048xf32, #tpu.memory_space<hbm>>
        %dma_start3A_139 = tpu.memref_slice %arg3[%add3A_137] : memref<1048576xf32, #tpu.memory_space<hbm>> -> memref<2048xf32, #tpu.memory_space<hbm>>
        tpu.enqueue_dma source(%dma_start3A_139 : memref<2048xf32, #tpu.memory_space<hbm>>) target(%arg8 : memref<2048xf32, #tpu.memory_space<vmem>>) target_semaphore(%arg22 : memref<!tpu.dma_semaphore, #tpu.memory_space<semaphore_mem>>)
        %dma_start3A_140 = tpu.memref_slice %arg4[%add3A_137] : memref<1048576xf32, #tpu.memory_space<hbm>> -> memref<2048xf32, #tpu.memory_space<hbm>>
        %dma_start3A_141 = tpu.memref_slice %arg4[%add3A_137] : memref<1048576xf32, #tpu.memory_space<hbm>> -> memref<2048xf32, #tpu.memory_space<hbm>>
        tpu.enqueue_dma source(%dma_start3A_141 : memref<2048xf32, #tpu.memory_space<hbm>>) target(%arg10 : memref<2048xf32, #tpu.memory_space<vmem>>) target_semaphore(%arg22 : memref<!tpu.dma_semaphore, #tpu.memory_space<semaphore_mem>>)
        %dma_start3A_142 = tpu.memref_slice %arg5[%add3A_137] : memref<1048576xf32, #tpu.memory_space<hbm>> -> memref<2048xf32, #tpu.memory_space<hbm>>
        %dma_start3A_143 = tpu.memref_slice %arg5[%add3A_137] : memref<1048576xf32, #tpu.memory_space<hbm>> -> memref<2048xf32, #tpu.memory_space<hbm>>
        tpu.enqueue_dma source(%dma_start3A_143 : memref<2048xf32, #tpu.memory_space<hbm>>) target(%arg12 : memref<2048xf32, #tpu.memory_space<vmem>>) target_semaphore(%arg22 : memref<!tpu.dma_semaphore, #tpu.memory_space<semaphore_mem>>)
      } else {
      }
      %dma_wait3A_112 = arith.constant 0 : i32
      %dma_wait3A_113 = tpu.memref_slice %arg2[%dma_wait3A_112] : memref<16777216xf32, #tpu.memory_space<hbm>> -> memref<16777216xf32, #tpu.memory_space<hbm>>
      tpu.wait_indirect_dma semaphore(%arg24 : memref<!tpu.dma_semaphore, #tpu.memory_space<semaphore_mem>>) src(%dma_wait3A_113 : memref<16777216xf32, #tpu.memory_space<hbm>>) dst(%arg16 : memref<16384xf32, #tpu.memory_space<vmem>>)
      %ge3A_114 = arith.constant 2 : i32
      %ge3A_115 = arith.cmpi sge, %add3A_104, %ge3A_114 : i32
      %convert_element_type3A_116 = arith.extui %ge3A_115 : i1 to i32
      %cond3A_117 = arith.constant 0 : i32
      %cond3A_118 = arith.cmpi ne, %convert_element_type3A_116, %cond3A_117 : i32
      scf.if %cond3A_118 {
        %dma_wait3A_135 = arith.constant 0 : i32
        %dma_wait3A_136 = tpu.memref_slice %arg6[%dma_wait3A_135] : memref<1048576xf32, #tpu.memory_space<hbm>> -> memref<2048xf32, #tpu.memory_space<hbm>>
        %dma_wait3A_137 = arith.constant 0 : i32
        %dma_wait3A_138 = tpu.memref_slice %arg6[%dma_wait3A_137] : memref<1048576xf32, #tpu.memory_space<hbm>> -> memref<2048xf32, #tpu.memory_space<hbm>>
        tpu.wait_dma2 semaphore(%arg26 : memref<!tpu.dma_semaphore, #tpu.memory_space<semaphore_mem>>) src(%arg20 : memref<2048xf32, #tpu.memory_space<vmem>>) dst(%dma_wait3A_138 : memref<2048xf32, #tpu.memory_space<hbm>>)
      } else {
      }
      %scan3A_119 = arith.constant 0 : i32
      %scan3A_120 = arith.constant 0 : i32
      %scan3A_121 = arith.constant 128 : i32
      %scan3A_122 = arith.addi %scan3A_120, %scan3A_121 : i32
      %scan3A_123 = arith.constant 1 : i32
      scf.for %scan3A_135 = %scan3A_120 to %scan3A_122 step %scan3A_123  : i32 {
        %mul3A_136 = arith.constant 16 : i32
        %mul3A_137 = arith.muli %scan3A_135, %mul3A_136 : i32
        %add3A_138 = arith.constant 0 : i32
        %add3A_139 = arith.addi %add3A_138, %mul3A_137 : i32
        %get3A = arith.index_cast %add3A_139 : i32 to index
        %get3A_140 = tpu.vector_load %arg16[%get3A] {strides = array<i32>} : memref<16384xf32, #tpu.memory_space<vmem>>, vector<16xf32>,
        %add3A_141 = arith.constant 2048 : i32
        %add3A_142 = arith.addi %add3A_141, %mul3A_137 : i32
        %get3A_143 = arith.index_cast %add3A_142 : i32 to index
        %get3A_144 = tpu.vector_load %arg16[%get3A_143] {strides = array<i32>} : memref<16384xf32, #tpu.memory_space<vmem>>, vector<16xf32>,
        %add3A_145 = arith.constant 4096 : i32
        %add3A_146 = arith.addi %add3A_145, %mul3A_137 : i32
        %get3A_147 = arith.index_cast %add3A_146 : i32 to index
        %get3A_148 = tpu.vector_load %arg16[%get3A_147] {strides = array<i32>} : memref<16384xf32, #tpu.memory_space<vmem>>, vector<16xf32>,
        %add3A_149 = arith.constant 6144 : i32
        %add3A_150 = arith.addi %add3A_149, %mul3A_137 : i32
        %get3A_151 = arith.index_cast %add3A_150 : i32 to index
        %get3A_152 = tpu.vector_load %arg16[%get3A_151] {strides = array<i32>} : memref<16384xf32, #tpu.memory_space<vmem>>, vector<16xf32>,
        %add3A_153 = arith.constant 8192 : i32
        %add3A_154 = arith.addi %add3A_153, %mul3A_137 : i32
        %get3A_155 = arith.index_cast %add3A_154 : i32 to index
        %get3A_156 = tpu.vector_load %arg16[%get3A_155] {strides = array<i32>} : memref<16384xf32, #tpu.memory_space<vmem>>, vector<16xf32>,
        %add3A_157 = arith.constant 10240 : i32
        %add3A_158 = arith.addi %add3A_157, %mul3A_137 : i32
        %get3A_159 = arith.index_cast %add3A_158 : i32 to index
        %get3A_160 = tpu.vector_load %arg16[%get3A_159] {strides = array<i32>} : memref<16384xf32, #tpu.memory_space<vmem>>, vector<16xf32>,
        %add3A_161 = arith.constant 12288 : i32
        %add3A_162 = arith.addi %add3A_161, %mul3A_137 : i32
        %get3A_163 = arith.index_cast %add3A_162 : i32 to index
        %get3A_164 = tpu.vector_load %arg16[%get3A_163] {strides = array<i32>} : memref<16384xf32, #tpu.memory_space<vmem>>, vector<16xf32>,
        %add3A_165 = arith.constant 14336 : i32
        %add3A_166 = arith.addi %add3A_165, %mul3A_137 : i32
        %get3A_167 = arith.index_cast %add3A_166 : i32 to index
        %get3A_168 = tpu.vector_load %arg16[%get3A_167] {strides = array<i32>} : memref<16384xf32, #tpu.memory_space<vmem>>, vector<16xf32>,
        %get3A_169 = arith.constant 0 : i32
        %get3A_170 = arith.index_cast %get3A_169 : i32 to index
        %get3A_171 = arith.index_cast %mul3A_137 : i32 to index
        %get3A_172 = tpu.vector_load %arg18[%get3A_170, %get3A_171] {strides = array<i32>} : memref<3x2048xf32, #tpu.memory_space<vmem>>, vector<16xf32>,
        %get3A_173 = arith.constant 1 : i32
        %get3A_174 = arith.index_cast %get3A_173 : i32 to index
        %get3A_175 = arith.index_cast %mul3A_137 : i32 to index
        %get3A_176 = tpu.vector_load %arg18[%get3A_174, %get3A_175] {strides = array<i32>} : memref<3x2048xf32, #tpu.memory_space<vmem>>, vector<16xf32>,
        %get3A_177 = arith.constant 2 : i32
        %get3A_178 = arith.index_cast %get3A_177 : i32 to index
        %get3A_179 = arith.index_cast %mul3A_137 : i32 to index
        %get3A_180 = tpu.vector_load %arg18[%get3A_178, %get3A_179] {strides = array<i32>} : memref<3x2048xf32, #tpu.memory_space<vmem>>, vector<16xf32>,
        %sub3A = arith.subf %get3A_144, %get3A_140 : vector<16xf32>
        %mul3A_181 = arith.mulf %get3A_172, %sub3A : vector<16xf32>
        %add3A_182 = arith.addf %get3A_140, %mul3A_181 : vector<16xf32>
        %sub3A_183 = arith.subf %get3A_152, %get3A_148 : vector<16xf32>
        %mul3A_184 = arith.mulf %get3A_172, %sub3A_183 : vector<16xf32>
        %add3A_185 = arith.addf %get3A_148, %mul3A_184 : vector<16xf32>
        %sub3A_186 = arith.subf %get3A_160, %get3A_156 : vector<16xf32>
        %mul3A_187 = arith.mulf %get3A_172, %sub3A_186 : vector<16xf32>
        %add3A_188 = arith.addf %get3A_156, %mul3A_187 : vector<16xf32>
        %sub3A_189 = arith.subf %get3A_168, %get3A_164 : vector<16xf32>
        %mul3A_190 = arith.mulf %get3A_172, %sub3A_189 : vector<16xf32>
        %add3A_191 = arith.addf %get3A_164, %mul3A_190 : vector<16xf32>
        %sub3A_192 = arith.subf %add3A_185, %add3A_182 : vector<16xf32>
        %mul3A_193 = arith.mulf %get3A_176, %sub3A_192 : vector<16xf32>
        %add3A_194 = arith.addf %add3A_182, %mul3A_193 : vector<16xf32>
        %sub3A_195 = arith.subf %add3A_191, %add3A_188 : vector<16xf32>
        %mul3A_196 = arith.mulf %get3A_176, %sub3A_195 : vector<16xf32>
        %add3A_197 = arith.addf %add3A_188, %mul3A_196 : vector<16xf32>
        %sub3A_198 = arith.subf %add3A_197, %add3A_194 : vector<16xf32>
        %mul3A_199 = arith.mulf %get3A_180, %sub3A_198 : vector<16xf32>
        %add3A_200 = arith.addf %add3A_194, %mul3A_199 : vector<16xf32>
        %swap3A = arith.index_cast %mul3A_137 : i32 to index
        %swap3A_201 = tpu.vector_load %arg20[%swap3A] {strides = array<i32>} : memref<2048xf32, #tpu.memory_space<vmem>>, vector<16xf32>,
        tpu.vector_store %arg20[%swap3A], %add3A_200 {strides = array<i32>} : memref<2048xf32, #tpu.memory_space<vmem>>, vector<16xf32>,
      }
      %scan3A_124 = arith.constant 128 : i32
      %mul3A_125 = arith.constant 2048 : i32
      %mul3A_126 = arith.muli %add3A_104, %mul3A_125 : i32
      %add3A_127 = arith.addi %mul3A_2, %mul3A_126 : i32
      %dma_start3A_128 = tpu.memref_slice %arg6[%add3A_127] : memref<1048576xf32, #tpu.memory_space<hbm>> -> memref<2048xf32, #tpu.memory_space<hbm>>
      %dma_start3A_129 = tpu.memref_slice %arg6[%add3A_127] : memref<1048576xf32, #tpu.memory_space<hbm>> -> memref<2048xf32, #tpu.memory_space<hbm>>
      tpu.enqueue_dma source(%arg20 : memref<2048xf32, #tpu.memory_space<vmem>>) target(%dma_start3A_129 : memref<2048xf32, #tpu.memory_space<hbm>>) target_semaphore(%arg26 : memref<!tpu.dma_semaphore, #tpu.memory_space<semaphore_mem>>)
      %lt3A_130 = arith.constant 16 : i32
      %lt3A_131 = arith.cmpi slt, %add3A_106, %lt3A_130 : i32
      %convert_element_type3A_132 = arith.extui %lt3A_131 : i1 to i32
      %cond3A_133 = arith.constant 0 : i32
      %cond3A_134 = arith.cmpi ne, %convert_element_type3A_132, %cond3A_133 : i32
      scf.if %cond3A_134 {
        %dma_wait3A_135 = arith.constant 0 : i32
        %dma_wait3A_136 = tpu.memref_slice %arg3[%dma_wait3A_135] : memref<1048576xf32, #tpu.memory_space<hbm>> -> memref<2048xf32, #tpu.memory_space<hbm>>
        %dma_wait3A_137 = arith.constant 0 : i32
        %dma_wait3A_138 = tpu.memref_slice %arg3[%dma_wait3A_137] : memref<1048576xf32, #tpu.memory_space<hbm>> -> memref<2048xf32, #tpu.memory_space<hbm>>
        tpu.wait_dma2 semaphore(%arg22 : memref<!tpu.dma_semaphore, #tpu.memory_space<semaphore_mem>>) src(%dma_wait3A_138 : memref<2048xf32, #tpu.memory_space<hbm>>) dst(%arg8 : memref<2048xf32, #tpu.memory_space<vmem>>)
        %dma_wait3A_139 = arith.constant 0 : i32
        %dma_wait3A_140 = tpu.memref_slice %arg4[%dma_wait3A_139] : memref<1048576xf32, #tpu.memory_space<hbm>> -> memref<2048xf32, #tpu.memory_space<hbm>>
        %dma_wait3A_141 = arith.constant 0 : i32
        %dma_wait3A_142 = tpu.memref_slice %arg4[%dma_wait3A_141] : memref<1048576xf32, #tpu.memory_space<hbm>> -> memref<2048xf32, #tpu.memory_space<hbm>>
        tpu.wait_dma2 semaphore(%arg22 : memref<!tpu.dma_semaphore, #tpu.memory_space<semaphore_mem>>) src(%dma_wait3A_142 : memref<2048xf32, #tpu.memory_space<hbm>>) dst(%arg10 : memref<2048xf32, #tpu.memory_space<vmem>>)
        %dma_wait3A_143 = arith.constant 0 : i32
        %dma_wait3A_144 = tpu.memref_slice %arg5[%dma_wait3A_143] : memref<1048576xf32, #tpu.memory_space<hbm>> -> memref<2048xf32, #tpu.memory_space<hbm>>
        %dma_wait3A_145 = arith.constant 0 : i32
        %dma_wait3A_146 = tpu.memref_slice %arg5[%dma_wait3A_145] : memref<1048576xf32, #tpu.memory_space<hbm>> -> memref<2048xf32, #tpu.memory_space<hbm>>
        tpu.wait_dma2 semaphore(%arg22 : memref<!tpu.dma_semaphore, #tpu.memory_space<semaphore_mem>>) src(%dma_wait3A_146 : memref<2048xf32, #tpu.memory_space<hbm>>) dst(%arg12 : memref<2048xf32, #tpu.memory_space<vmem>>)
        %scan3A_147 = arith.constant 0 : i32
        %scan3A_148 = arith.constant 0 : i32
        %scan3A_149 = arith.constant 128 : i32
        %scan3A_150 = arith.addi %scan3A_148, %scan3A_149 : i32
        %scan3A_151 = arith.constant 1 : i32
        scf.for %scan3A_155 = %scan3A_148 to %scan3A_150 step %scan3A_151  : i32 {
          %mul3A_156 = arith.constant 16 : i32
          %mul3A_157 = arith.muli %scan3A_155, %mul3A_156 : i32
          %get3A = arith.index_cast %mul3A_157 : i32 to index
          %get3A_158 = tpu.vector_load %arg8[%get3A] {strides = array<i32>} : memref<2048xf32, #tpu.memory_space<vmem>>, vector<16xf32>,
          %get3A_159 = arith.index_cast %mul3A_157 : i32 to index
          %get3A_160 = tpu.vector_load %arg10[%get3A_159] {strides = array<i32>} : memref<2048xf32, #tpu.memory_space<vmem>>, vector<16xf32>,
          %get3A_161 = arith.index_cast %mul3A_157 : i32 to index
          %get3A_162 = tpu.vector_load %arg12[%get3A_161] {strides = array<i32>} : memref<2048xf32, #tpu.memory_space<vmem>>, vector<16xf32>,
          %add3A_163 = arith.constant 1.000000e+00 : f32
          %add3A_164 = vector.broadcast %add3A_163 : f32 to vector<16xf32>
          %add3A_165 = arith.addf %get3A_158, %add3A_164 : vector<16xf32>
          %mul3A_166 = arith.constant 1.275000e+02 : f32
          %mul3A_167 = vector.broadcast %mul3A_166 : f32 to vector<16xf32>
          %mul3A_168 = arith.mulf %add3A_165, %mul3A_167 : vector<16xf32>
          %jit3A = arith.constant 0.000000e+00 : f32
          %jit3A_169 = arith.constant 255 : i32
          %max3A = vector.broadcast %jit3A : f32 to vector<16xf32>
          %max3A_170 = arith.maximumf %max3A, %mul3A_168 : vector<16xf32>
          %convert_element_type3A_171 = arith.sitofp %jit3A_169 : i32 to f32
          %min3A = vector.broadcast %convert_element_type3A_171 : f32 to vector<16xf32>
          %min3A_172 = arith.minimumf %min3A, %max3A_170 : vector<16xf32>
          %add3A_173 = arith.constant 1.000000e+00 : f32
          %add3A_174 = vector.broadcast %add3A_173 : f32 to vector<16xf32>
          %add3A_175 = arith.addf %get3A_160, %add3A_174 : vector<16xf32>
          %mul3A_176 = arith.constant 1.275000e+02 : f32
          %mul3A_177 = vector.broadcast %mul3A_176 : f32 to vector<16xf32>
          %mul3A_178 = arith.mulf %add3A_175, %mul3A_177 : vector<16xf32>
          %jit3A_179 = arith.constant 0.000000e+00 : f32
          %jit3A_180 = arith.constant 255 : i32
          %max3A_181 = vector.broadcast %jit3A_179 : f32 to vector<16xf32>
          %max3A_182 = arith.maximumf %max3A_181, %mul3A_178 : vector<16xf32>
          %convert_element_type3A_183 = arith.sitofp %jit3A_180 : i32 to f32
          %min3A_184 = vector.broadcast %convert_element_type3A_183 : f32 to vector<16xf32>
          %min3A_185 = arith.minimumf %min3A_184, %max3A_182 : vector<16xf32>
          %add3A_186 = arith.constant 1.000000e+00 : f32
          %add3A_187 = vector.broadcast %add3A_186 : f32 to vector<16xf32>
          %add3A_188 = arith.addf %get3A_162, %add3A_187 : vector<16xf32>
          %mul3A_189 = arith.constant 1.275000e+02 : f32
          %mul3A_190 = vector.broadcast %mul3A_189 : f32 to vector<16xf32>
          %mul3A_191 = arith.mulf %add3A_188, %mul3A_190 : vector<16xf32>
          %jit3A_192 = arith.constant 0.000000e+00 : f32
          %jit3A_193 = arith.constant 255 : i32
          %max3A_194 = vector.broadcast %jit3A_192 : f32 to vector<16xf32>
          %max3A_195 = arith.maximumf %max3A_194, %mul3A_191 : vector<16xf32>
          %convert_element_type3A_196 = arith.sitofp %jit3A_193 : i32 to f32
          %min3A_197 = vector.broadcast %convert_element_type3A_196 : f32 to vector<16xf32>
          %min3A_198 = arith.minimumf %min3A_197, %max3A_195 : vector<16xf32>
          %convert_element_type3A_199 = arith.fptosi %min3A_172 : vector<16xf32> to vector<16xi32>
          %convert_element_type3A_200 = arith.fptosi %min3A_185 : vector<16xf32> to vector<16xi32>
          %convert_element_type3A_201 = arith.fptosi %min3A_198 : vector<16xf32> to vector<16xi32>
          %convert_element_type3A_202 = arith.sitofp %convert_element_type3A_199 : vector<16xi32> to vector<16xf32>
          %sub3A = arith.subf %min3A_172, %convert_element_type3A_202 : vector<16xf32>
          %swap3A = arith.constant 0 : i32
          %swap3A_203 = arith.index_cast %swap3A : i32 to index
          %swap3A_204 = arith.index_cast %mul3A_157 : i32 to index
          %swap3A_205 = tpu.vector_load %arg18[%swap3A_203, %swap3A_204] {strides = array<i32>} : memref<3x2048xf32, #tpu.memory_space<vmem>>, vector<16xf32>,
          tpu.vector_store %arg18[%swap3A_203, %swap3A_204], %sub3A {strides = array<i32>} : memref<3x2048xf32, #tpu.memory_space<vmem>>, vector<16xf32>,
          %convert_element_type3A_206 = arith.sitofp %convert_element_type3A_200 : vector<16xi32> to vector<16xf32>
          %sub3A_207 = arith.subf %min3A_185, %convert_element_type3A_206 : vector<16xf32>
          %swap3A_208 = arith.constant 1 : i32
          %swap3A_209 = arith.index_cast %swap3A_208 : i32 to index
          %swap3A_210 = arith.index_cast %mul3A_157 : i32 to index
          %swap3A_211 = tpu.vector_load %arg18[%swap3A_209, %swap3A_210] {strides = array<i32>} : memref<3x2048xf32, #tpu.memory_space<vmem>>, vector<16xf32>,
          tpu.vector_store %arg18[%swap3A_209, %swap3A_210], %sub3A_207 {strides = array<i32>} : memref<3x2048xf32, #tpu.memory_space<vmem>>, vector<16xf32>,
          %convert_element_type3A_212 = arith.sitofp %convert_element_type3A_201 : vector<16xi32> to vector<16xf32>
          %sub3A_213 = arith.subf %min3A_198, %convert_element_type3A_212 : vector<16xf32>
          %swap3A_214 = arith.constant 2 : i32
          %swap3A_215 = arith.index_cast %swap3A_214 : i32 to index
          %swap3A_216 = arith.index_cast %mul3A_157 : i32 to index
          %swap3A_217 = tpu.vector_load %arg18[%swap3A_215, %swap3A_216] {strides = array<i32>} : memref<3x2048xf32, #tpu.memory_space<vmem>>, vector<16xf32>,
          tpu.vector_store %arg18[%swap3A_215, %swap3A_216], %sub3A_213 {strides = array<i32>} : memref<3x2048xf32, #tpu.memory_space<vmem>>, vector<16xf32>,
          %add3A_218 = arith.constant 1 : i32
          %add3A_219 = vector.broadcast %add3A_218 : i32 to vector<16xi32>
          %add3A_220 = arith.addi %convert_element_type3A_199, %add3A_219 : vector<16xi32>
          %min3A_221 = arith.constant 255 : i32
          %min3A_222 = vector.broadcast %min3A_221 : i32 to vector<16xi32>
          %min3A_223 = arith.minsi %add3A_220, %min3A_222 : vector<16xi32>
          %add3A_224 = arith.constant 1 : i32
          %add3A_225 = vector.broadcast %add3A_224 : i32 to vector<16xi32>
          %add3A_226 = arith.addi %convert_element_type3A_200, %add3A_225 : vector<16xi32>
          %min3A_227 = arith.constant 255 : i32
          %min3A_228 = vector.broadcast %min3A_227 : i32 to vector<16xi32>
          %min3A_229 = arith.minsi %add3A_226, %min3A_228 : vector<16xi32>
          %add3A_230 = arith.constant 1 : i32
          %add3A_231 = vector.broadcast %add3A_230 : i32 to vector<16xi32>
          %add3A_232 = arith.addi %convert_element_type3A_201, %add3A_231 : vector<16xi32>
          %min3A_233 = arith.constant 255 : i32
          %min3A_234 = vector.broadcast %min3A_233 : i32 to vector<16xi32>
          %min3A_235 = arith.minsi %add3A_232, %min3A_234 : vector<16xi32>
          %shift_right_arithmetic3A = arith.constant 7 : i32
          %shift_right_arithmetic3A_236 = vector.broadcast %shift_right_arithmetic3A : i32 to vector<16xi32>
          %shift_right_arithmetic3A_237 = arith.shrsi %convert_element_type3A_199, %shift_right_arithmetic3A_236 : vector<16xi32>
          %shift_left3A = arith.constant 10 : i32
          %shift_left3A_238 = vector.broadcast %shift_left3A : i32 to vector<16xi32>
          %shift_left3A_239 = arith.shli %shift_right_arithmetic3A_237, %shift_left3A_238 : vector<16xi32>
          %and3A = arith.constant 127 : i32
          %and3A_240 = vector.broadcast %and3A : i32 to vector<16xi32>
          %and3A_241 = arith.andi %convert_element_type3A_199, %and3A_240 : vector<16xi32>
          %add3A_242 = arith.addi %shift_left3A_239, %and3A_241 : vector<16xi32>
          %shift_right_arithmetic3A_243 = arith.constant 7 : i32
          %shift_right_arithmetic3A_244 = vector.broadcast %shift_right_arithmetic3A_243 : i32 to vector<16xi32>
          %shift_right_arithmetic3A_245 = arith.shrsi %min3A_223, %shift_right_arithmetic3A_244 : vector<16xi32>
          %shift_left3A_246 = arith.constant 10 : i32
          %shift_left3A_247 = vector.broadcast %shift_left3A_246 : i32 to vector<16xi32>
          %shift_left3A_248 = arith.shli %shift_right_arithmetic3A_245, %shift_left3A_247 : vector<16xi32>
          %and3A_249 = arith.constant 127 : i32
          %and3A_250 = vector.broadcast %and3A_249 : i32 to vector<16xi32>
          %and3A_251 = arith.andi %min3A_223, %and3A_250 : vector<16xi32>
          %add3A_252 = arith.addi %shift_left3A_248, %and3A_251 : vector<16xi32>
          %shift_right_arithmetic3A_253 = arith.constant 3 : i32
          %shift_right_arithmetic3A_254 = vector.broadcast %shift_right_arithmetic3A_253 : i32 to vector<16xi32>
          %shift_right_arithmetic3A_255 = arith.shrsi %convert_element_type3A_200, %shift_right_arithmetic3A_254 : vector<16xi32>
          %shift_left3A_256 = arith.constant 11 : i32
          %shift_left3A_257 = vector.broadcast %shift_left3A_256 : i32 to vector<16xi32>
          %shift_left3A_258 = arith.shli %shift_right_arithmetic3A_255, %shift_left3A_257 : vector<16xi32>
          %and3A_259 = arith.constant 7 : i32
          %and3A_260 = vector.broadcast %and3A_259 : i32 to vector<16xi32>
          %and3A_261 = arith.andi %convert_element_type3A_200, %and3A_260 : vector<16xi32>
          %shift_left3A_262 = arith.constant 7 : i32
          %shift_left3A_263 = vector.broadcast %shift_left3A_262 : i32 to vector<16xi32>
          %shift_left3A_264 = arith.shli %and3A_261, %shift_left3A_263 : vector<16xi32>
          %add3A_265 = arith.addi %shift_left3A_258, %shift_left3A_264 : vector<16xi32>
          %shift_right_arithmetic3A_266 = arith.constant 3 : i32
          %shift_right_arithmetic3A_267 = vector.broadcast %shift_right_arithmetic3A_266 : i32 to vector<16xi32>
          %shift_right_arithmetic3A_268 = arith.shrsi %min3A_229, %shift_right_arithmetic3A_267 : vector<16xi32>
          %shift_left3A_269 = arith.constant 11 : i32
          %shift_left3A_270 = vector.broadcast %shift_left3A_269 : i32 to vector<16xi32>
          %shift_left3A_271 = arith.shli %shift_right_arithmetic3A_268, %shift_left3A_270 : vector<16xi32>
          %and3A_272 = arith.constant 7 : i32
          %and3A_273 = vector.broadcast %and3A_272 : i32 to vector<16xi32>
          %and3A_274 = arith.andi %min3A_229, %and3A_273 : vector<16xi32>
          %shift_left3A_275 = arith.constant 7 : i32
          %shift_left3A_276 = vector.broadcast %shift_left3A_275 : i32 to vector<16xi32>
          %shift_left3A_277 = arith.shli %and3A_274, %shift_left3A_276 : vector<16xi32>
          %add3A_278 = arith.addi %shift_left3A_271, %shift_left3A_277 : vector<16xi32>
          %shift_left3A_279 = arith.constant 16 : i32
          %shift_left3A_280 = vector.broadcast %shift_left3A_279 : i32 to vector<16xi32>
          %shift_left3A_281 = arith.shli %convert_element_type3A_201, %shift_left3A_280 : vector<16xi32>
          %add3A_282 = arith.addi %shift_left3A_281, %add3A_265 : vector<16xi32>
          %shift_left3A_283 = arith.constant 16 : i32
          %shift_left3A_284 = vector.broadcast %shift_left3A_283 : i32 to vector<16xi32>
          %shift_left3A_285 = arith.shli %convert_element_type3A_201, %shift_left3A_284 : vector<16xi32>
          %add3A_286 = arith.addi %shift_left3A_285, %add3A_278 : vector<16xi32>
          %shift_left3A_287 = arith.constant 16 : i32
          %shift_left3A_288 = vector.broadcast %shift_left3A_287 : i32 to vector<16xi32>
          %shift_left3A_289 = arith.shli %min3A_235, %shift_left3A_288 : vector<16xi32>
          %add3A_290 = arith.addi %shift_left3A_289, %add3A_265 : vector<16xi32>
          %shift_left3A_291 = arith.constant 16 : i32
          %shift_left3A_292 = vector.broadcast %shift_left3A_291 : i32 to vector<16xi32>
          %shift_left3A_293 = arith.shli %min3A_235, %shift_left3A_292 : vector<16xi32>
          %add3A_294 = arith.addi %shift_left3A_293, %add3A_278 : vector<16xi32>
          %add3A_295 = arith.addi %add3A_282, %add3A_242 : vector<16xi32>
          %add3A_296 = arith.constant 0 : i32
          %add3A_297 = arith.addi %add3A_296, %mul3A_157 : i32
          %swap3A_298 = arith.index_cast %add3A_297 : i32 to index
          %swap3A_299 = tpu.vector_load %arg14[%swap3A_298] {strides = array<i32>} : memref<16384xi32, #tpu.memory_space<vmem>>, vector<16xi32>,
          tpu.vector_store %arg14[%swap3A_298], %add3A_295 {strides = array<i32>} : memref<16384xi32, #tpu.memory_space<vmem>>, vector<16xi32>,
          %add3A_300 = arith.addi %add3A_282, %add3A_252 : vector<16xi32>
          %add3A_301 = arith.constant 2048 : i32
          %add3A_302 = arith.addi %add3A_301, %mul3A_157 : i32
          %swap3A_303 = arith.index_cast %add3A_302 : i32 to index
          %swap3A_304 = tpu.vector_load %arg14[%swap3A_303] {strides = array<i32>} : memref<16384xi32, #tpu.memory_space<vmem>>, vector<16xi32>,
          tpu.vector_store %arg14[%swap3A_303], %add3A_300 {strides = array<i32>} : memref<16384xi32, #tpu.memory_space<vmem>>, vector<16xi32>,
          %add3A_305 = arith.addi %add3A_286, %add3A_242 : vector<16xi32>
          %add3A_306 = arith.constant 4096 : i32
          %add3A_307 = arith.addi %add3A_306, %mul3A_157 : i32
          %swap3A_308 = arith.index_cast %add3A_307 : i32 to index
          %swap3A_309 = tpu.vector_load %arg14[%swap3A_308] {strides = array<i32>} : memref<16384xi32, #tpu.memory_space<vmem>>, vector<16xi32>,
          tpu.vector_store %arg14[%swap3A_308], %add3A_305 {strides = array<i32>} : memref<16384xi32, #tpu.memory_space<vmem>>, vector<16xi32>,
          %add3A_310 = arith.addi %add3A_286, %add3A_252 : vector<16xi32>
          %add3A_311 = arith.constant 6144 : i32
          %add3A_312 = arith.addi %add3A_311, %mul3A_157 : i32
          %swap3A_313 = arith.index_cast %add3A_312 : i32 to index
          %swap3A_314 = tpu.vector_load %arg14[%swap3A_313] {strides = array<i32>} : memref<16384xi32, #tpu.memory_space<vmem>>, vector<16xi32>,
          tpu.vector_store %arg14[%swap3A_313], %add3A_310 {strides = array<i32>} : memref<16384xi32, #tpu.memory_space<vmem>>, vector<16xi32>,
          %add3A_315 = arith.addi %add3A_290, %add3A_242 : vector<16xi32>
          %add3A_316 = arith.constant 8192 : i32
          %add3A_317 = arith.addi %add3A_316, %mul3A_157 : i32
          %swap3A_318 = arith.index_cast %add3A_317 : i32 to index
          %swap3A_319 = tpu.vector_load %arg14[%swap3A_318] {strides = array<i32>} : memref<16384xi32, #tpu.memory_space<vmem>>, vector<16xi32>,
          tpu.vector_store %arg14[%swap3A_318], %add3A_315 {strides = array<i32>} : memref<16384xi32, #tpu.memory_space<vmem>>, vector<16xi32>,
          %add3A_320 = arith.addi %add3A_290, %add3A_252 : vector<16xi32>
          %add3A_321 = arith.constant 10240 : i32
          %add3A_322 = arith.addi %add3A_321, %mul3A_157 : i32
          %swap3A_323 = arith.index_cast %add3A_322 : i32 to index
          %swap3A_324 = tpu.vector_load %arg14[%swap3A_323] {strides = array<i32>} : memref<16384xi32, #tpu.memory_space<vmem>>, vector<16xi32>,
          tpu.vector_store %arg14[%swap3A_323], %add3A_320 {strides = array<i32>} : memref<16384xi32, #tpu.memory_space<vmem>>, vector<16xi32>,
          %add3A_325 = arith.addi %add3A_294, %add3A_242 : vector<16xi32>
          %add3A_326 = arith.constant 12288 : i32
          %add3A_327 = arith.addi %add3A_326, %mul3A_157 : i32
          %swap3A_328 = arith.index_cast %add3A_327 : i32 to index
          %swap3A_329 = tpu.vector_load %arg14[%swap3A_328] {strides = array<i32>} : memref<16384xi32, #tpu.memory_space<vmem>>, vector<16xi32>,
          tpu.vector_store %arg14[%swap3A_328], %add3A_325 {strides = array<i32>} : memref<16384xi32, #tpu.memory_space<vmem>>, vector<16xi32>,
          %add3A_330 = arith.addi %add3A_294, %add3A_252 : vector<16xi32>
          %add3A_331 = arith.constant 14336 : i32
          %add3A_332 = arith.addi %add3A_331, %mul3A_157 : i32
          %swap3A_333 = arith.index_cast %add3A_332 : i32 to index
          %swap3A_334 = tpu.vector_load %arg14[%swap3A_333] {strides = array<i32>} : memref<16384xi32, #tpu.memory_space<vmem>>, vector<16xi32>,
          tpu.vector_store %arg14[%swap3A_333], %add3A_330 {strides = array<i32>} : memref<16384xi32, #tpu.memory_space<vmem>>, vector<16xi32>,
        }
        %scan3A_152 = arith.constant 128 : i32
        %dma_start3A_153 = arith.constant 0 : i32
        %dma_start3A_154 = tpu.memref_slice %arg2[%dma_start3A_153] : memref<16777216xf32, #tpu.memory_space<hbm>> -> memref<16777216xf32, #tpu.memory_space<hbm>>
        tpu.enqueue_indirect_dma source(%dma_start3A_154 : memref<16777216xf32, #tpu.memory_space<hbm>>) target(%arg16 : memref<16384xf32, #tpu.memory_space<vmem>>) offsets(%arg14 : memref<16384xi32, #tpu.memory_space<vmem>>) semaphore(%arg24 : memref<!tpu.dma_semaphore, #tpu.memory_space<semaphore_mem>>)
      } else {
      }
    }
    %scan3A_61 = arith.constant 8 : i32
    %dma_wait3A_62 = arith.constant 0 : i32
    %dma_wait3A_63 = tpu.memref_slice %arg6[%dma_wait3A_62] : memref<1048576xf32, #tpu.memory_space<hbm>> -> memref<2048xf32, #tpu.memory_space<hbm>>
    %dma_wait3A_64 = arith.constant 0 : i32
    %dma_wait3A_65 = tpu.memref_slice %arg6[%dma_wait3A_64] : memref<1048576xf32, #tpu.memory_space<hbm>> -> memref<2048xf32, #tpu.memory_space<hbm>>
    tpu.wait_dma2 semaphore(%arg25 : memref<!tpu.dma_semaphore, #tpu.memory_space<semaphore_mem>>) src(%arg19 : memref<2048xf32, #tpu.memory_space<vmem>>) dst(%dma_wait3A_65 : memref<2048xf32, #tpu.memory_space<hbm>>)
    %dma_wait3A_66 = arith.constant 0 : i32
    %dma_wait3A_67 = tpu.memref_slice %arg6[%dma_wait3A_66] : memref<1048576xf32, #tpu.memory_space<hbm>> -> memref<2048xf32, #tpu.memory_space<hbm>>
    %dma_wait3A_68 = arith.constant 0 : i32
    %dma_wait3A_69 = tpu.memref_slice %arg6[%dma_wait3A_68] : memref<1048576xf32, #tpu.memory_space<hbm>> -> memref<2048xf32, #tpu.memory_space<hbm>>
    tpu.wait_dma2 semaphore(%arg26 : memref<!tpu.dma_semaphore, #tpu.memory_space<semaphore_mem>>) src(%arg20 : memref<2048xf32, #tpu.memory_space<vmem>>) dst(%dma_wait3A_69 : memref<2048xf32, #tpu.memory_space<hbm>>)
    return
  }
}

</mosaic_0001>

<sc_bundles>
// kernel: _density_sample.3.cloned.1.call-start
scs
__scs_entry_jumppad:
0x0: {  	(pc) =	sbr.rel $0x88, $3  }
0x1: {  	(tag) =	ssettag $0x0;
	lr =	simm.s32 $0x1  }
0x2: {  	[smem:$0x3F9D] =	sst lr;
	_ =	strace $0xD0000000  }
0x3: {  	_ = 	snop  }
0x4: {  	_ = 	snop  }
0x5: {  	_ = 	snop  }
0x6: {  	_ = 	snop  }
0x7: {  	_ = 	snop  }
__scs_overlays_trampoline_lowered:
0x8: {  	[smem:$0x3FAC] =	sst s0  }
0x9: {  	[smem:$0x3FAD] =	sst s1  }
0xa: {  	[smem:$0x3FAE] =	sst s2  }
0xb: {  	[smem:$0x3FAF] =	sst s3  }
0xc: {  	[smem:$0x3FB0] =	sst s4  }
0xd: {  	[smem:$0x3FB1] =	sst s5  }
0xe: {  	[smem:$0x3FB2] =	sst s6  }
0xf: {  	[smem:$0x3FB3] =	sst s7  }
0x10: {  	[smem:$0x3FB4] =	sst s8  }
0x11: {  	[smem:$0x3FB5] =	sst s9;
	s0 =	simm.s32 @!p0 $0x0  }
0x12: {  	s1 =	sld [smem:$0x3F9B];
	s0 =	simm.s32 @p0 $0x1  }
0x13: {  	[smem:$0x3FB6] =	sst s0;
	s0 =	simm.s32 @!p1 $0x0  }
0x14: {  	s2 =	sld [smem:$0x3F9A];
	s0 =	simm.s32 @p1 $0x1  }
0x15: {  	[smem:$0x3FB7] =	sst s0;
	s0 =	simm.s32 @!p2 $0x0  }
0x16: {  	s3 =	sld [smem:$0x3FDB];
	s0 =	simm.s32 @p2 $0x1  }
0x17: {  	s4 =	simm.s32 $0x1BF5;
	[smem:$0x3FB9] =	sst s0  }
0x18: {  	s0 =	sld [smem:$0x3F9C];
	_ =	swait.ge [sflag:s4], $0x0  }
0x19: {  	s7 =	sld [smem:$0x3F9D]  }
0x1a: {  	s8 =	sadd.s32 $0xFFFFE003, lr  }
0x1b: {  	s9 =	sadd.s32 $0xFFFFFEF7, lr;
	s5 =	simm.s32 $0xFFFFFFFF;
	p2 =	slt.u32 s8, $0xFFFFF086  }
0x1c: {  	p1 =	slt.u32 s9, $0xF7A;
	s5 =	simm.s32 @!p2 $0x0  }
0x1d: {  	s5 =	simm.s32 @p1 $0x1;
	p0 =	seq.s32 s7, s2  }
0x1e: {  	s7 =	smul.u32 @!p0 $0xF7A, s2;
	p2 =	seq.s32 @!p0 s5, $0x0  }
0x1f: {  	s9 =	smul.u32 $0xF7A, s1;
	s8 =	simm.s32 @!p0 $0x1BF5;
	p2 =	por !p2, p0  }
0x20: {  	[sflag:s8] =	ssyncset.s32 @!p0 $0xFFFFF086;
	s6 =	sadd.s32 @!p0 s3, s7;
	s7 =	simm.s32 @!p0 $0x108  }
0x21: {  	s3 =	sadd.s32 s3, s9;
	s6 =	sadd.s32 @!p0 $0x88, s6;
	s7 =	simm.s32 @p2 $0x1082  }
0x22: {  	[simem:s7], [sflag:s8] =	dma.local @!p0 [hbm:s6], $0xF7A  }
0x23: {  	s9 =	sor.u32 $0xD0000000, s2;
	s6 =	simm.s32 $0x108;
	_ =	swait.ge @!p0 [sflag:s8], $0x0  }
0x24: {  	s3 =	sadd.s32 $0x88, s3;
	s6 =	simm.s32 @!p1 $0x1082;
	[sflag:s4] =	ssyncset.s32 $0xFFFFF086  }
0x25: {  	[simem:s6], [sflag:s4] =	dma.local [hbm:s3], $0xF7A  }
0x26: {  	[smem:$0x3F9D] =	sst s1;
	(tag) =	ssettag s2;
	_ =	strace s9  }
0x27: {  	s1 =	sld [smem:$0x3FAD]  }
0x28: {  	s2 =	sld [smem:$0x3FAE]  }
0x29: {  	s4 =	sld [smem:$0x3FB0]  }
0x2a: {  	p0 =	seq.s32 s5, $0x0;
	s5 =	sld [smem:$0x3FB1]  }
0x2b: {  	s6 =	sld [smem:$0x3FB2]  }
0x2c: {  	s7 =	sld [smem:$0x3FB3]  }
0x2d: {  	s3 =	simm.s32 $0x108;
	s8 =	sld [smem:$0x3FB4]  }
0x2e: {  	s3 =	simm.s32 @!p0 $0x1082;
	s9 =	sld [smem:$0x3FB5]  }
0x2f: {  	lr =	sadd.s32 s0, s3;
	s0 =	sld [smem:$0x3FAC]  }
0x30: {  	s3 =	sld [smem:$0x3FAF]  }
0x31: {  	[smem:$0x3FB8] =	sst s10  }
0x32: {  	s10 =	sld [smem:$0x3FB6];
	_ =	sdelay $0x3  }
0x33: {  	p0 =	seq.s32 s10, $0x1;
	s10 =	sld [smem:$0x3FB8];
	_ =	sdelay $0x3  }
0x34: {  	[smem:$0x3FB8] =	sst s10  }
0x35: {  	s10 =	sld [smem:$0x3FB7];
	_ =	sdelay $0x3  }
0x36: {  	p1 =	seq.s32 s10, $0x1;
	s10 =	sld [smem:$0x3FB8];
	_ =	sdelay $0x3  }
0x37: {  	[smem:$0x3FB8] =	sst s10  }
0x38: {  	s10 =	sld [smem:$0x3FB9]  }
0x39: {  	_ = 	snop;
	(pc) =	sbr.ind lr, $3  }
0x3a: {  	_ = 	snop  }
0x3b: {  	_ = 	snop  }
0x3c: {  	p2 =	seq.s32 s10, $0x1;
	s10 =	sld [smem:$0x3FB8]  }
0x3d: {  	_ =	shalt  }
0x3e: {  	_ =	shalt  }
0x3f: {  	_ =	shalt  }
0x40: {  	_ =	shalt  }
0x41: {  	_ =	shalt  }
0x42: {  	_ =	shalt  }
0x43: {  	_ =	shalt  }
0x44: {  	_ =	shalt  }
0x45: {  	_ =	shalt  }
0x46: {  	_ =	shalt  }
0x47: {  	_ =	shalt  }
0x48: {  	_ =	shalt  }
0x49: {  	_ =	shalt  }
0x4a: {  	_ =	shalt  }
0x4b: {  	_ =	shalt  }
0x4c: {  	_ =	shalt  }
0x4d: {  	_ =	shalt  }
0x4e: {  	_ =	shalt  }
0x4f: {  	_ =	shalt  }
0x50: {  	_ =	shalt  }
0x51: {  	_ =	shalt  }
0x52: {  	_ =	shalt  }
0x53: {  	_ =	shalt  }
0x54: {  	_ =	shalt  }
0x55: {  	_ =	shalt  }
0x56: {  	_ =	shalt  }
0x57: {  	_ =	shalt  }
0x58: {  	_ =	shalt  }
0x59: {  	_ =	shalt  }
0x5a: {  	_ =	shalt  }
0x5b: {  	_ =	shalt  }
0x5c: {  	_ =	shalt  }
0x5d: {  	_ =	shalt  }
0x5e: {  	_ =	shalt  }
0x5f: {  	_ =	shalt  }
0x60: {  	_ =	shalt  }
0x61: {  	_ =	shalt  }
0x62: {  	_ =	shalt  }
0x63: {  	_ =	shalt  }
0x64: {  	_ =	shalt  }
0x65: {  	_ =	shalt  }
0x66: {  	_ =	shalt  }
0x67: {  	_ =	shalt  }
0x68: {  	_ =	shalt  }
0x69: {  	_ =	shalt  }
0x6a: {  	_ =	shalt  }
0x6b: {  	_ =	shalt  }
0x6c: {  	_ =	shalt  }
0x6d: {  	_ =	shalt  }
0x6e: {  	_ =	shalt  }
0x6f: {  	_ =	shalt  }
0x70: {  	_ =	shalt  }
0x71: {  	_ =	shalt  }
0x72: {  	_ =	shalt  }
0x73: {  	_ =	shalt  }
0x74: {  	_ =	shalt  }
0x75: {  	_ =	shalt  }
0x76: {  	_ =	shalt  }
0x77: {  	_ =	shalt  }
0x78: {  	_ =	shalt  }
0x79: {  	_ =	shalt  }
0x7a: {  	_ =	shalt  }
0x7b: {  	_ =	shalt  }
0x7c: {  	_ =	shalt  }
0x7d: {  	_ =	shalt  }
0x7e: {  	_ =	shalt  }
0x7f: {  	_ =	shalt  }
0x80: {  	_ =	shalt  }
0x81: {  	_ =	shalt  }
0x82: {  	_ =	shalt  }
0x83: {  	_ =	shalt  }
0x84: {  	_ =	shalt  }
0x85: {  	_ =	shalt  }
0x86: {  	_ =	shalt  }
0x87: {  	_ =	shalt  }
.Lfunc_end0:
.L_simem_size_0:
called_computation_lowered:
.L_overlay_start_0:
0x88: {  	s2 =	sld [smem:$0x3FD9]  }
0x89: {  	s3 =	sld [smem:$0x3FFE];
	_ =	sdelay $0x1  }
0x8a: {  	s1 =	srdreg.scid  }
0x8b: {  	s0 =	sand.u32 $0x1, s1  }
0x8c: {  	s18 =	sshll.u32 s0, $0xA;
	s2 =	sadd.s32 s3, s2  }
0x8d: {  	s2 =	sadd.s32 s2, s18  }
0x8e: {  	[smem:$0x3FC4] =	sst s2  }
0x8f: {  	_ = 	snop  }
0x90: {  	s2 =	sld [smem:$0x3FC9]  }
0x91: {  	s19 =	sld [smem:$0x3FC8]  }
0x92: {  	s4 =	sld [smem:$0x3FC7]  }
0x93: {  	s5 =	sld [smem:$0x3FC6]  }
0x94: {  	s6 =	sld [smem:$0x3FD0];
	(tm) =	ssettm $0x1  }
0x95: {  	s7 =	sld [smem:$0x3FFB];
	_ =	sdelay $0x3  }
0x96: {  	_ =	strace s7  }
0x97: {  	s7 =	sld [smem:$0x3FFC];
	_ =	sdelay $0x3  }
0x98: {  	_ =	strace s7  }
0x99: {  	s7 =	sld [smem:$0x3FFD];
	_ =	sdelay $0x3  }
0x9a: {  	_ =	strace s7  }
0x9b: {  	_ =	strace $0x8FFFFFFF  }
0x9c: {  	s20 =	sld [smem:$0x3FDB];
	_ =	sdelay $0x1  }
0x9d: {  	s8 =	simm.s32 $_scs_section_size  }
0x9e: {  	s9 =	simm.s32 $_size__tile_overlayer_lowered;
	s10 =	simm.s32 $_tile_overlayer_lowered  }
0x9f: {  	s23 =	simm.s32 $0x1BFF;
	s22 =	sshll.u32 s10, $0x1;
	s7 =	sadd.s32 s8, s20  }
0xa0: {  	s11 =	simm.s32 $0x0;
	s21 =	sshll.u32 s9, $0x1;
	s9 =	sadd.s32 s22, s7  }
0xa1: {  	[timem:s11], [sflag:s23] =	dma.local [hbm:s9], s21  }
0xa2: {  	_ =	swait.ge [sflag:s23], s21  }
0xa3: {  	s8 =	ssub.s32 $0x0, s21;
	[sflag:s23] =	ssyncset.done $0x0  }
0xa4: {  	[sflag:s23] =	ssyncadd.s32 s8;
	_ =	sdelay $0x1  }
0xa5: {  	s24 =	simm.s32 $0x1B8B  }
0xa6: {  	_ =	swait.ge [sflag:s24], $0x1  }
0xa7: {  	[sflag:s24] =	ssyncset.done $0x0  }
0xa8: {  	s25 =	simm.s32 $0x1B8E;
	[sflag:s24] =	ssyncadd.s32 $0xFFFFFFFF  }
0xa9: {  	s26 =	simm.s32 $execute0_lowered;
	[smem:$0x3FD2] =	sst s25  }
0xaa: {  	s8 =	sshll.u32 s26, $0x1;
	_ =	strace $0x80000046;
	[dreg:$0x1] =	wrdreg $0xFFFFFFFF  }
0xab: {  	s28 =	simm.s32 $_size_execute0_lowered;
	s7 =	sadd.s32 s7, s8;
	[dreg:$0x0] =	wrdreg $0x0  }
0xac: {  	s8 =	sshll.u32 s28, $0x1;
	[dreg:$0x2] =	wrdreg s7  }
0xad: {  	[dreg:$0x3] =	wrdreg s8  }
0xae: {  	[dreg:$0x4] =	wrdreg $0xC0  }
0xaf: {  	_ =	task [dreg:s11], $0x5FFFF  }
0xb0: {  	[dreg:$0x1] =	wrdreg $0xFFFFFFFF  }
0xb1: {  	[dreg:$0x0] =	wrdreg $0x60  }
0xb2: {  	[dreg:$0x2] =	wrdreg s2  }
0xb3: {  	[dreg:$0x3] =	wrdreg s19  }
0xb4: {  	[dreg:$0x4] =	wrdreg s4  }
0xb5: {  	[dreg:$0x5] =	wrdreg s5  }
0xb6: {  	[dreg:$0x6] =	wrdreg s6  }
0xb7: {  	[dreg:$0x7] =	wrdreg $0x9  }
0xb8: {  	_ =	task.clear_ibuf [dreg:s11], $0x8FFFF;
	_ =	strace $0x90000046  }
0xb9: {  	s29 =	simm.s32 $0x9;
	_ =	strace $0x80000048  }
0xba: {  	_ =	swait.ge [sflag:s29], $0x1  }
0xbb: {  	[sflag:s29] =	ssyncadd.s32 $0xFFFFFFFF  }
0xbc: {  	_ =	strace $0x90000048  }
0xbd: {  	_ =	sfence  }
0xbe: {  	s30 =	sld [smem:$0x0];
	_ =	sdelay $0x2  }
0xbf: {  	s31 =	sshll.u32 s1, $0xD;
	s1 =	sshrl.u32 s1, $0x2  }
0xc0: {  	s3 =	sand.u32 $0x4000, s31;
	s1 =	sadd.s32 s1, s30  }
0xc1: {  	s0 =	sor.u32 s3, s0;
	s1 =	sshll.u32 s1, $0x11  }
0xc2: {  	s0 =	sor.u32 s1, s0  }
0xc3: {  	s0 =	sadd.s32 $0x8F2B, s0  }
0xc4: {  	[sflag:s0] =	ssyncadd.remote.s32 $0x1  }
0xc5: {  	_ =	sfence.sel $0xFFFF  }
0xc6: {  	[dreg:$0x0] =	wrdreg $0xFFFFFFFF;
	(pc) =	sbr.abs _section_cstart, $3  }
0xc7: {  	[dreg:$0x1] =	wrdreg $0xFFFFFFFF  }
0xc8: {  	_ =	task.clear_ibuf [dreg:s11], $0x2FFFF;
	_ =	strace $0x9FFFFFFF  }
0xc9: {  	(tm) =	ssettm $0x7FFFFFFF  }
tec
execute0_lowered:
.L_overlay_start_1:
0x0: {  	(tag) =	ssettag $0x1  }
0x1: {  	s1 =	rddreg [dreg:$0x0]  }
0x2: {  	s2 =	rddreg [dreg:$0x1]  }
0x3: {  	s3 =	rddreg [dreg:$0x2]  }
0x4: {  	s5 =	rddreg [dreg:$0x3]  }
0x5: {  	s6 =	rddreg [dreg:$0x4];
	s0 =	srdreg.scid  }
0x6: {  	s4 =	stileid.u32;
	s7 =	simm.s32 $0x0;
	s28 =	simm.s32 $0x2  }
0x7: {  	s29 =	simm.s32 $0x7000;
	s30 =	simm.s32 $0xF000;
	s31 =	simm.s32 $0x3  }
0x8: {  	s18 =	simm.s32 $0x6;
	s19 =	simm.s32 $0x17800;
	s0 =	sand.u32 $0x1, s0  }
0x9: {  	s4 =	sshll.u32 s4, $0x10;
	s8 =	sshll.u32 s0, $0xF;
	s0 =	ssub.s32 $0x2, s0  }
0xa: {  	[smem:$0x7FF] =	sst s7;
	s8 =	sor.u32 s8, s4;
	s22 =	sshrl.u32 s0, $0x1  }
0xb: {  	_ =	strace $0x80000047;
	s9 =	sshrl.u32 s8, $0x3;
	s0 =	ssub.s32 s0, s22  }
0xc: {  	s15 =	sor.u32 $0x1000, s8;
	s16 =	sor.u32 $0x1800, s8;
	s23 =	sadd.s32 s2, s9  }
0xd: {  	s24 =	sor.u32 $0x100, s9;
	s10 =	sadd.s32 s3, s9;
	[dreg:$0x6] =	wrdreg s23  }
0xe: {  	s9 =	sadd.s32 s5, s9;
	s0 =	smax.u32 s0, $0x1;
	[dreg:$0x7] =	wrdreg s10  }
.Ltmp0:
0xf: {  	[dreg:$0x8] =	wrdreg s9;
	s25 =	sadd.s32 s2, s24;
	(pc) =	sbr.rel .LBB2_1-.Ltmp0, $4  }
0x10: {  	s26 =	sadd.s32 s3, s24;
	s4 =	sadd.s32 s5, s24;
	[dreg:$0xc] =	wrdreg s0  }
0x11: {  	s23 =	simm.s32 $0x1;
	s24 =	simm.s32 $0x4000;
	[dreg:$0x9] =	wrdreg s25  }
0x12: {  	s0 =	simm.s32 $0x17000;
	s10 =	simm.s32 $0x0;
	[dreg:$0xa] =	wrdreg s26  }
0x13: {  	[dreg:$0xb] =	wrdreg s4;
	s26 =	simm.s32 $0xB000;
	s4 =	simm.s32 $0x4  }
.LBB2_20:
0x14: {  	s9 =	simm.s32 $0x5  }
0x15: {  	_ =	swait.ge [sflag:s9], $0x800  }
0x16: {  	[sflag:s9] =	ssyncset.done $0x0  }
0x17: {  	[sflag:s9] =	ssyncadd.s32 $0xFFFFF800  }
0x18: {  	_ =	swait.ge [sflag:s18], $0x800  }
0x19: {  	s10 =	rddreg [dreg:$0xd]  }
0x1a: {  	s25 =	rddreg [dreg:$0xc];
	s10 =	sadd.s32 $0x1, s10  }
0x1b: {  	p0 =	sne.s32 s10, s25  }
.Ltmp1:
0x1c: {  	_ = 	snop;
	(pc) =	sbr.rel @!p0 .LBB2_21-.Ltmp1, $3  }
0x1d: {  	_ =	sdelay $0x1  }
0x1e: {  	[sflag:s18] =	ssyncset.done $0x0  }
0x1f: {  	[sflag:s18] =	ssyncadd.s32 $0xFFFFF800  }
.LBB2_1:
0x20: {  	[dreg:$0xd] =	wrdreg s10  }
0x21: {  	s9 =	rddreg [dreg:$0x6]  }
0x22: {  	[tilespmem:s7], [sflag:$0x1] =	stream.linear.gather [hbm4b:s9+s7], $0x800, $0x38;
	[tilespmem:$0x18000] =	vst v63  }
0x23: {  	s22 =	rddreg [dreg:$0x7];
	s25 =	simm.s32 $0x1000  }
0x24: {  	[tilespmem:s25], [sflag:$0x1] =	stream.linear.gather [hbm4b:s22+s7], $0x800, $0x38;
	[tilespmem:$0x18000] =	vst v63  }
0x25: {  	s10 =	rddreg [dreg:$0x8];
	s11 =	simm.s32 $0x2000  }
0x26: {  	[tilespmem:s11], [sflag:$0x1] =	stream.linear.gather [hbm4b:s10+s7], $0x800, $0x38;
	[tilespmem:$0x18000] =	vst v63  }
0x27: {  	s12 =	rddreg [dreg:$0x9];
	s13 =	simm.s32 $0x800  }
0x28: {  	[tilespmem:s13], [sflag:$0x2] =	stream.linear.gather [hbm4b:s12+s7], $0x800, $0x38;
	[tilespmem:$0x18000] =	vst v63  }
0x29: {  	s14 =	rddreg [dreg:$0xa];
	s17 =	simm.s32 $0x1800  }
0x2a: {  	[tilespmem:s17], [sflag:$0x2] =	stream.linear.gather [hbm4b:s14+s7], $0x800, $0x38;
	[tilespmem:$0x18000] =	vst v63  }
0x2b: {  	s20 =	rddreg [dreg:$0xb];
	s21 =	simm.s32 $0x2800  }
0x2c: {  	[tilespmem:s21], [sflag:$0x2] =	stream.linear.gather [hbm4b:s20+s7], $0x800, $0x38;
	[tilespmem:$0x18000] =	vst v63  }
0x2d: {  	_ =	swait.ge [sflag:s23], $0x800  }
0x2e: {  	[sflag:s23] =	ssyncset.done $0x0  }
0x2f: {  	[sflag:s23] =	ssyncadd.s32 $0xFFFFF800  }
0x30: {  	_ =	swait.ge [sflag:s23], $0x800  }
0x31: {  	[sflag:s23] =	ssyncset.done $0x0  }
0x32: {  	[sflag:s23] =	ssyncadd.s32 $0xFFFFF800  }
0x33: {  	_ =	swait.ge [sflag:s23], $0x800  }
0x34: {  	[sflag:s23] =	ssyncset.done $0x0  }
0x35: {  	s11 =	simm.s32 $0x0;
	[sflag:s23] =	ssyncadd.s32 $0xFFFFF800  }
0x36: {  	v0 =	vld [tilespmem:s11+$0x2000]  }
0x37: {  	v1 =	vld [tilespmem:s11+$0x1000];
	_ =	sdelay $0x1  }
0x38: {  	v2 =	vld [tilespmem:s11+$0x0];
	_ =	sdelay $0x1  }
0x39: {  	v0 =	vadd.f32 $1.000000000e+00, v0  }
0x3a: {  	v1 =	vadd.f32 $1.000000000e+00, v1  }
0x3b: {  	v0 =	vmul.f32 $1.275000000e+02, v0  }
0x3c: {  	v2 =	vadd.f32 $1.000000000e+00, v2;
	v1 =	vmul.f32 $1.275000000e+02, v1  }
0x3d: {  	v0 =	vmax.f32 v0, $0.0e+00  }
0x3e: {  	v2 =	vmul.f32 $1.275000000e+02, v2;
	v1 =	vmax.f32 v1, $0.0e+00;
	v0 =	vmin.f32 v0, $2.550000000e+02  }
0x3f: {  	v3 =	vmin.f32 v1, $2.550000000e+02;
	v1 =	vtrunc.f32 v0  }
0x40: {  	v2 =	vmax.f32 v2, $0.0e+00;
	v4 =	vtrunc.f32 v3;
	v8 =	vcvt.f32.s32 v1  }
0x41: {  	v1 =	vmin.f32 v2, $2.550000000e+02;
	v11 =	vcvt.f32.s32 v4  }
0x42: {  	v4 =	vtrunc.f32 v1;
	v5 =	vcvt.s32.f32 v8;
	v2 =	vadd.s32 $0x1, v8  }
0x43: {  	v7 =	vcvt.f32.s32 v4;
	v9 =	vadd.s32 $0x1, v11;
	v4 =	vshll.u32 v11, $0x7  }
0x44: {  	s22 =	sand.u32 $0x70, s7;
	s25 =	sand.u32 $0x1E00, s7;
	v10 =	vcvt.s32.f32 v11;
	v11 =	vshll.u32 v11, $0x8;
	vm0 =	vlt.s32 v9, $0xFF  }
0x45: {  	s13 =	sor.u32 s22, s25;
	v4 =	vand.u32 $0x380, v4;
	v13 =	vsub.f32 v0, v5;
	v6 =	vcvt.s32.f32 v7  }
0x46: {  	s14 =	sadd.s32 $0x13000, s13;
	v5 =	vand.u32 $0x7F, v7;
	v12 =	vadd.s32 $0x1, v7;
	v9 =	vnsel vm0, $0xFF, v9  }
0x47: {  	s9 =	simm.s32 $0x10;
	s10 =	simm.s32 $0x0;
	s12 =	simm.s32 $0x0;
	v0 =	vshll.u32 v8, $0x10;
	vm0 =	vlt.s32 v12, $0xFF;
	v8 =	vshll.u32 v9, $0x7;
	[tilespmem:s14+$0x100] =	vst v13  }
.LBB2_2:
0x48: {  	p0 =	sne.s32 s9, $0x7F0  }
0x49: {  	v12 =	vnsel vm0, $0xFF, v12;
	vm0 =	vlt.s32 v2, $0xFF;
	v7 =	vshll.u32 v7, $0x3;
	s10 =	sadd.s32 $0x40, s10;
	s17 =	smov.u32 s9;
	s9 =	sadd.s32 $0x10, s9  }
0x4a: {  	v3 =	vsub.f32 v3, v10;
	v11 =	vand.u32 $0xFFFFF800, v11;
	v10 =	vshll.u32 v12, $0x3  }
0x4b: {  	v9 =	vshll.u32 v9, $0x8;
	v12 =	vand.u32 $0x7F, v12;
	v10 =	vand.u32 $0xFFFFFC00, v10  }
0x4c: {  	v1 =	vsub.f32 v1, v6;
	v6 =	vand.u32 $0xFFFFFC00, v7;
	v7 =	vor.u32 v12, v10  }
0x4d: {  	v2 =	vnsel vm0, $0xFF, v2;
	v4 =	vor.u32 v4, v11;
	v5 =	vor.u32 v5, v6  }
0x4e: {  	v6 =	vadd.s32 v0, v4;
	v2 =	vshll.u32 v2, $0x10;
	[tilespmem:s13+$0x13000] =	vst v1;
	v1 =	vand.u32 $0x380, v8  }
0x4f: {  	v4 =	vadd.s32 v4, v2;
	v8 =	vadd.s32 v5, v6;
	[tilespmem:s14+$0x80] =	vst v3;
	v3 =	vand.u32 $0xFFFFF800, v9  }
0x50: {  	s13 =	sand.u32 $0x7F0, s12;
	s12 =	smov.u32 s17;
	v1 =	vor.u32 v1, v3;
	[tilespmem:s11+$0x3000] =	vst v8;
	v3 =	vadd.s32 v7, v6;
	v6 =	vadd.s32 v7, v4  }
0x51: {  	v0 =	vadd.s32 v0, v1;
	v1 =	vadd.s32 v2, v1;
	[tilespmem:s13+$0x3800] =	vst v3  }
0x52: {  	v3 =	vadd.s32 v5, v4;
	v2 =	vadd.s32 v5, v0;
	v0 =	vadd.s32 v7, v0;
	[tilespmem:s13+$0x5800] =	vst v6  }
0x53: {  	[tilespmem:s13+$0x4000] =	vst v2;
	v2 =	vadd.s32 v5, v1;
	v1 =	vadd.s32 v7, v1  }
0x54: {  	[tilespmem:s13+$0x6000] =	vst v2  }
0x55: {  	s11 =	sshra.s32 s10, $0x2;
	[tilespmem:s13+$0x6800] =	vst v1  }
0x56: {  	[tilespmem:s13+$0x5000] =	vst v3  }
0x57: {  	[tilespmem:s13+$0x4800] =	vst v0  }
0x58: {  	v0 =	vld [tilespmem:s11+$0x2000]  }
0x59: {  	v1 =	vld [tilespmem:s11+$0x1000];
	_ =	sdelay $0x1  }
0x5a: {  	v2 =	vld [tilespmem:s11+$0x0];
	_ =	sdelay $0x1  }
0x5b: {  	v0 =	vadd.f32 $1.000000000e+00, v0  }
0x5c: {  	v1 =	vadd.f32 $1.000000000e+00, v1  }
0x5d: {  	v0 =	vmul.f32 $1.275000000e+02, v0  }
0x5e: {  	v2 =	vadd.f32 $1.000000000e+00, v2;
	v1 =	vmul.f32 $1.275000000e+02, v1  }
0x5f: {  	v0 =	vmax.f32 v0, $0.0e+00  }
0x60: {  	v2 =	vmul.f32 $1.275000000e+02, v2;
	v1 =	vmax.f32 v1, $0.0e+00;
	v0 =	vmin.f32 v0, $2.550000000e+02  }
0x61: {  	v3 =	vmin.f32 v1, $2.550000000e+02;
	v1 =	vtrunc.f32 v0  }
0x62: {  	v2 =	vmax.f32 v2, $0.0e+00;
	v4 =	vtrunc.f32 v3;
	v8 =	vcvt.f32.s32 v1  }
0x63: {  	v1 =	vmin.f32 v2, $2.550000000e+02;
	v11 =	vcvt.f32.s32 v4  }
0x64: {  	v4 =	vtrunc.f32 v1;
	v5 =	vcvt.s32.f32 v8;
	v2 =	vadd.s32 $0x1, v8  }
.Ltmp2:
0x65: {  	s14 =	sand.u32 $0x1E00, s10;
	s13 =	sand.u32 $0x70, s12;
	v7 =	vcvt.f32.s32 v4;
	v9 =	vadd.s32 $0x1, v11;
	v4 =	vshll.u32 v11, $0x7;
	(pc) =	sbr.rel @p0 .LBB2_2-.Ltmp2, $4  }
0x66: {  	s13 =	sor.u32 s13, s14;
	v12 =	vsub.f32 v0, v5;
	vm0 =	vlt.s32 v9, $0xFF;
	v4 =	vand.u32 $0x380, v4  }
0x67: {  	s14 =	sadd.s32 $0x13000, s13;
	v0 =	vshll.u32 v8, $0x10;
	v6 =	vcvt.s32.f32 v7;
	v5 =	vand.u32 $0x7F, v7  }
0x68: {  	v10 =	vcvt.s32.f32 v11;
	v9 =	vnsel vm0, $0xFF, v9;
	[tilespmem:s14+$0x100] =	vst v12;
	v12 =	vadd.s32 $0x1, v7  }
0x69: {  	v11 =	vshll.u32 v11, $0x8;
	v8 =	vshll.u32 v9, $0x7;
	vm0 =	vlt.s32 v12, $0xFF  }
0x6a: {  	v12 =	vnsel vm0, $0xFF, v12;
	vm0 =	vlt.s32 v2, $0xFF  }
0x6b: {  	v7 =	vshll.u32 v7, $0x3;
	v3 =	vsub.f32 v3, v10;
	v11 =	vand.u32 $0xFFFFF800, v11  }
0x6c: {  	v9 =	vshll.u32 v9, $0x8;
	v1 =	vsub.f32 v1, v6;
	v10 =	vshll.u32 v12, $0x3  }
0x6d: {  	v12 =	vand.u32 $0x7F, v12;
	v6 =	vand.u32 $0xFFFFFC00, v7;
	v2 =	vnsel vm0, $0xFF, v2  }
0x6e: {  	v4 =	vor.u32 v4, v11;
	v10 =	vand.u32 $0xFFFFFC00, v10;
	v5 =	vor.u32 v5, v6  }
0x6f: {  	[tilespmem:s13+$0x13000] =	vst v1;
	v1 =	vand.u32 $0x380, v8;
	v6 =	vadd.s32 v0, v4;
	v2 =	vshll.u32 v2, $0x10  }
0x70: {  	[tilespmem:s14+$0x80] =	vst v3;
	v3 =	vand.u32 $0xFFFFF800, v9;
	v7 =	vor.u32 v12, v10;
	v8 =	vadd.s32 v5, v6  }
0x71: {  	s9 =	sand.u32 $0x7F0, s12;
	v4 =	vadd.s32 v4, v2;
	v1 =	vor.u32 v1, v3;
	[tilespmem:s11+$0x3000] =	vst v8;
	v3 =	vadd.s32 v7, v6  }
0x72: {  	v6 =	vadd.s32 v7, v4;
	v0 =	vadd.s32 v0, v1;
	[tilespmem:s9+$0x3800] =	vst v3  }
0x73: {  	v1 =	vadd.s32 v2, v1;
	v2 =	vadd.s32 v5, v0;
	[tilespmem:s9+$0x5800] =	vst v6  }
0x74: {  	v0 =	vadd.s32 v7, v0;
	[tilespmem:s9+$0x4000] =	vst v2  }
0x75: {  	v2 =	vadd.s32 v5, v1;
	[tilespmem:s9+$0x4800] =	vst v0  }
0x76: {  	v1 =	vadd.s32 v7, v1;
	[tilespmem:s9+$0x6000] =	vst v2  }
0x77: {  	v2 =	vadd.s32 v5, v4;
	[tilespmem:s9+$0x6800] =	vst v1  }
0x78: {  	s22 =	simm.s32 $0x3000;
	[tilespmem:s9+$0x5000] =	vst v2  }
0x79: {  	[tilespmem:s26], [sflag:$0x3] =	stream.indirect.gather [hbm4b:s1+s24], $0x1, s22, s24, $0xb8;
	[tilespmem:$0x18000] =	vst v63  }
0x7a: {  	_ =	swait.ge [sflag:s28], $0x800  }
0x7b: {  	[sflag:s28] =	ssyncset.done $0x0  }
0x7c: {  	[sflag:s28] =	ssyncadd.s32 $0xFFFFF800  }
0x7d: {  	_ =	swait.ge [sflag:s28], $0x800  }
0x7e: {  	[sflag:s28] =	ssyncset.done $0x0  }
0x7f: {  	[sflag:s28] =	ssyncadd.s32 $0xFFFFF800  }
0x80: {  	_ =	swait.ge [sflag:s28], $0x800  }
0x81: {  	[sflag:s28] =	ssyncset.done $0x0  }
0x82: {  	s11 =	simm.s32 $0x0;
	[sflag:s28] =	ssyncadd.s32 $0xFFFFF800  }
0x83: {  	v0 =	vld [tilespmem:s11+$0x2800]  }
0x84: {  	v1 =	vld [tilespmem:s11+$0x1800];
	_ =	sdelay $0x1  }
0x85: {  	v2 =	vld [tilespmem:s11+$0x800];
	_ =	sdelay $0x1  }
0x86: {  	v0 =	vadd.f32 $1.000000000e+00, v0  }
0x87: {  	v1 =	vadd.f32 $1.000000000e+00, v1  }
0x88: {  	v0 =	vmul.f32 $1.275000000e+02, v0  }
0x89: {  	v2 =	vadd.f32 $1.000000000e+00, v2;
	v1 =	vmul.f32 $1.275000000e+02, v1  }
0x8a: {  	v0 =	vmax.f32 v0, $0.0e+00  }
0x8b: {  	v2 =	vmul.f32 $1.275000000e+02, v2;
	v1 =	vmax.f32 v1, $0.0e+00;
	v0 =	vmin.f32 v0, $2.550000000e+02  }
0x8c: {  	v3 =	vmin.f32 v1, $2.550000000e+02;
	v1 =	vtrunc.f32 v0  }
0x8d: {  	v2 =	vmax.f32 v2, $0.0e+00;
	v4 =	vtrunc.f32 v3;
	v8 =	vcvt.f32.s32 v1  }
0x8e: {  	v1 =	vmin.f32 v2, $2.550000000e+02;
	v11 =	vcvt.f32.s32 v4  }
0x8f: {  	v4 =	vtrunc.f32 v1;
	v5 =	vcvt.s32.f32 v8;
	v2 =	vadd.s32 $0x1, v8  }
0x90: {  	s9 =	simm.s32 $0x0;
	v7 =	vcvt.f32.s32 v4;
	v9 =	vadd.s32 $0x1, v11;
	v4 =	vshll.u32 v11, $0x7  }
0x91: {  	s10 =	sand.u32 $0x70, s9;
	s25 =	sand.u32 $0x1E00, s9;
	v10 =	vcvt.s32.f32 v11;
	v11 =	vshll.u32 v11, $0x8;
	vm0 =	vlt.s32 v9, $0xFF  }
0x92: {  	s13 =	sor.u32 s10, s25;
	v4 =	vand.u32 $0x380, v4;
	v13 =	vsub.f32 v0, v5;
	v6 =	vcvt.s32.f32 v7  }
0x93: {  	s14 =	sadd.s32 $0x15000, s13;
	v5 =	vand.u32 $0x7F, v7;
	v12 =	vadd.s32 $0x1, v7;
	v9 =	vnsel vm0, $0xFF, v9  }
0x94: {  	s12 =	simm.s32 $0x0;
	s10 =	simm.s32 $0x10;
	v0 =	vshll.u32 v8, $0x10;
	vm0 =	vlt.s32 v12, $0xFF;
	v8 =	vshll.u32 v9, $0x7;
	[tilespmem:s14+$0x100] =	vst v13  }
.LBB2_4:
0x95: {  	p0 =	sne.s32 s10, $0x7F0  }
0x96: {  	v12 =	vnsel vm0, $0xFF, v12;
	vm0 =	vlt.s32 v2, $0xFF;
	v7 =	vshll.u32 v7, $0x3;
	s9 =	sadd.s32 $0x40, s9;
	s17 =	smov.u32 s10;
	s10 =	sadd.s32 $0x10, s10  }
0x97: {  	v3 =	vsub.f32 v3, v10;
	v11 =	vand.u32 $0xFFFFF800, v11;
	v10 =	vshll.u32 v12, $0x3  }
0x98: {  	v9 =	vshll.u32 v9, $0x8;
	v12 =	vand.u32 $0x7F, v12;
	v10 =	vand.u32 $0xFFFFFC00, v10  }
0x99: {  	v1 =	vsub.f32 v1, v6;
	v6 =	vand.u32 $0xFFFFFC00, v7;
	v7 =	vor.u32 v12, v10  }
0x9a: {  	v2 =	vnsel vm0, $0xFF, v2;
	v4 =	vor.u32 v4, v11;
	v5 =	vor.u32 v5, v6  }
0x9b: {  	v6 =	vadd.s32 v0, v4;
	v2 =	vshll.u32 v2, $0x10;
	[tilespmem:s13+$0x15000] =	vst v1;
	v1 =	vand.u32 $0x380, v8  }
0x9c: {  	v4 =	vadd.s32 v4, v2;
	v8 =	vadd.s32 v5, v6;
	[tilespmem:s14+$0x80] =	vst v3;
	v3 =	vand.u32 $0xFFFFF800, v9  }
0x9d: {  	s13 =	sand.u32 $0x7F0, s12;
	s12 =	smov.u32 s17;
	v1 =	vor.u32 v1, v3;
	[tilespmem:s11+$0x7000] =	vst v8;
	v3 =	vadd.s32 v7, v6;
	v6 =	vadd.s32 v7, v4  }
0x9e: {  	v0 =	vadd.s32 v0, v1;
	v1 =	vadd.s32 v2, v1;
	[tilespmem:s13+$0x7800] =	vst v3  }
0x9f: {  	v3 =	vadd.s32 v5, v4;
	v2 =	vadd.s32 v5, v0;
	v0 =	vadd.s32 v7, v0;
	[tilespmem:s13+$0x9800] =	vst v6  }
0xa0: {  	[tilespmem:s13+$0x8000] =	vst v2;
	v2 =	vadd.s32 v5, v1;
	v1 =	vadd.s32 v7, v1  }
0xa1: {  	[tilespmem:s13+$0xA000] =	vst v2  }
0xa2: {  	s11 =	sshra.s32 s9, $0x2;
	[tilespmem:s13+$0xA800] =	vst v1  }
0xa3: {  	[tilespmem:s13+$0x9000] =	vst v3  }
0xa4: {  	[tilespmem:s13+$0x8800] =	vst v0  }
0xa5: {  	v0 =	vld [tilespmem:s11+$0x2800]  }
0xa6: {  	v1 =	vld [tilespmem:s11+$0x1800];
	_ =	sdelay $0x1  }
0xa7: {  	v2 =	vld [tilespmem:s11+$0x800];
	_ =	sdelay $0x1  }
0xa8: {  	v0 =	vadd.f32 $1.000000000e+00, v0  }
0xa9: {  	v1 =	vadd.f32 $1.000000000e+00, v1  }
0xaa: {  	v0 =	vmul.f32 $1.275000000e+02, v0  }
0xab: {  	v2 =	vadd.f32 $1.000000000e+00, v2;
	v1 =	vmul.f32 $1.275000000e+02, v1  }
0xac: {  	v0 =	vmax.f32 v0, $0.0e+00  }
0xad: {  	v2 =	vmul.f32 $1.275000000e+02, v2;
	v1 =	vmax.f32 v1, $0.0e+00;
	v0 =	vmin.f32 v0, $2.550000000e+02  }
0xae: {  	v3 =	vmin.f32 v1, $2.550000000e+02;
	v1 =	vtrunc.f32 v0  }
0xaf: {  	v2 =	vmax.f32 v2, $0.0e+00;
	v4 =	vtrunc.f32 v3;
	v8 =	vcvt.f32.s32 v1  }
0xb0: {  	v1 =	vmin.f32 v2, $2.550000000e+02;
	v11 =	vcvt.f32.s32 v4  }
0xb1: {  	v4 =	vtrunc.f32 v1;
	v5 =	vcvt.s32.f32 v8;
	v2 =	vadd.s32 $0x1, v8  }
.Ltmp3:
0xb2: {  	s14 =	sand.u32 $0x1E00, s9;
	s13 =	sand.u32 $0x70, s12;
	v7 =	vcvt.f32.s32 v4;
	v9 =	vadd.s32 $0x1, v11;
	v4 =	vshll.u32 v11, $0x7;
	(pc) =	sbr.rel @p0 .LBB2_4-.Ltmp3, $4  }
0xb3: {  	s13 =	sor.u32 s13, s14;
	v12 =	vsub.f32 v0, v5;
	vm0 =	vlt.s32 v9, $0xFF;
	v4 =	vand.u32 $0x380, v4  }
0xb4: {  	s14 =	sadd.s32 $0x15000, s13;
	v0 =	vshll.u32 v8, $0x10;
	v6 =	vcvt.s32.f32 v7;
	v5 =	vand.u32 $0x7F, v7  }
0xb5: {  	v10 =	vcvt.s32.f32 v11;
	v9 =	vnsel vm0, $0xFF, v9;
	[tilespmem:s14+$0x100] =	vst v12;
	v12 =	vadd.s32 $0x1, v7  }
0xb6: {  	v11 =	vshll.u32 v11, $0x8;
	v8 =	vshll.u32 v9, $0x7;
	vm0 =	vlt.s32 v12, $0xFF  }
0xb7: {  	v12 =	vnsel vm0, $0xFF, v12;
	vm15 =	vlt.s32 v2, $0xFF  }
0xb8: {  	v7 =	vshll.u32 v7, $0x3;
	v3 =	vsub.f32 v3, v10;
	v11 =	vand.u32 $0xFFFFF800, v11  }
0xb9: {  	v9 =	vshll.u32 v9, $0x8;
	v1 =	vsub.f32 v1, v6;
	v54 =	vand.u32 $0x380, v8  }
0xba: {  	v51 =	vshll.u32 v12, $0x3;
	v12 =	vand.u32 $0x7F, v12;
	v52 =	vand.u32 $0xFFFFFC00, v7  }
0xbb: {  	v2 =	vnsel vm15, $0xFF, v2;
	v4 =	vor.u32 v4, v11;
	v56 =	vand.u32 $0xFFFFF800, v9  }
0xbc: {  	v10 =	vand.u32 $0xFFFFFC00, v51;
	v5 =	vor.u32 v5, v52;
	[tilespmem:s13+$0x15000] =	vst v1;
	v55 =	vadd.s32 v0, v4  }
0xbd: {  	v2 =	vshll.u32 v2, $0x10;
	[tilespmem:s14+$0x80] =	vst v3;
	v53 =	vor.u32 v12, v10;
	v57 =	vadd.s32 v5, v55  }
0xbe: {  	s9 =	sand.u32 $0x7F0, s12;
	v1 =	vor.u32 v54, v56;
	v4 =	vadd.s32 v4, v2;
	[tilespmem:s11+$0x7000] =	vst v57;
	v58 =	vadd.s32 v53, v55  }
0xbf: {  	v60 =	vadd.s32 v0, v1;
	v59 =	vadd.s32 v53, v4;
	[tilespmem:s9+$0x7800] =	vst v58  }
0xc0: {  	v1 =	vadd.s32 v2, v1;
	v61 =	vadd.s32 v5, v60;
	[tilespmem:s9+$0x9800] =	vst v59  }
0xc1: {  	v62 =	vadd.s32 v5, v1;
	[tilespmem:s9+$0x8000] =	vst v61  }
0xc2: {  	v1 =	vadd.s32 v53, v1;
	[tilespmem:s9+$0xA000] =	vst v62  }
0xc3: {  	v63 =	vadd.s32 v5, v4;
	[tilespmem:s9+$0xA800] =	vst v1  }
0xc4: {  	v0 =	vadd.s32 v53, v60;
	[tilespmem:s9+$0x9000] =	vst v63  }
0xc5: {  	s12 =	simm.s32 $0x0;
	s11 =	simm.s32 $0x0;
	[tilespmem:s9+$0x8800] =	vst v0  }
0xc6: {  	[tilespmem:s30], [sflag:$0x4] =	stream.indirect.gather [hbm4b:s1+s24], $0x1, s29, s24, $0xb8;
	[tilespmem:$0x18000] =	vst v63  }
.LBB2_6:
0xc7: {  	p0 =	seq.s32 s12, $0x7  }
0xc8: {  	s9 =	sshll.u32 @!p0 s12, $0xC  }
0xc9: {  	s9 =	sadd.s32 @!p0 s9, s15  }
0xca: {  	s9 =	sshrl.u32 @!p0 s9, $0x3  }
0xcb: {  	s13 =	simm.s32 @!p0 $0x0;
	s10 =	sadd.s32 @!p0 s2, s9  }
0xcc: {  	[tilespmem:s13], [sflag:$0x1] =	stream.linear.gather @!p0 [hbm4b:s10+s13], $0x800, $0x38;
	[tilespmem:$0x18000] =	vst v63  }
0xcd: {  	s14 =	simm.s32 @!p0 $0x1000;
	s10 =	sadd.s32 @!p0 s3, s9  }
0xce: {  	[tilespmem:s14], [sflag:$0x1] =	stream.linear.gather @!p0 [hbm4b:s10+s13], $0x800, $0x38;
	[tilespmem:$0x18000] =	vst v63  }
0xcf: {  	s9 =	sadd.s32 @!p0 s5, s9;
	s10 =	simm.s32 @!p0 $0x2000  }
0xd0: {  	[tilespmem:s10], [sflag:$0x1] =	stream.linear.gather @!p0 [hbm4b:s9+s13], $0x800, $0x38;
	[tilespmem:$0x18000] =	vst v63  }
0xd1: {  	_ =	swait.ge [sflag:s31], $0x4000  }
0xd2: {  	p1 =	seq.s32 s12, $0x0;
	[sflag:s31] =	ssyncset.done $0x0  }
0xd3: {  	s9 =	simm.s32 @!p1 $0x5;
	[sflag:s31] =	ssyncadd.s32 $0xFFFFC000  }
0xd4: {  	_ =	swait.ge @!p1 [sflag:s9], $0x800  }
0xd5: {  	[sflag:s9] =	ssyncset.done @!p1 $0x0  }
0xd6: {  	[sflag:s9] =	ssyncadd.s32 @!p1 $0xFFFFF800;
	s9 =	simm.s32 $0x0  }
0xd7: {  	s14 =	sand.u32 $0x7F0, s11;
	v0 =	vld [tilespmem:s9+$0xB000]  }
0xd8: {  	v4 =	vld [tilespmem:s14+$0xB800]  }
0xd9: {  	v1 =	vld [tilespmem:s14+$0xC000]  }
0xda: {  	v5 =	vld [tilespmem:s14+$0xC800]  }
0xdb: {  	v2 =	vld [tilespmem:s14+$0xD000]  }
0xdc: {  	s17 =	sand.u32 $0x70, s11;
	v6 =	vld [tilespmem:s14+$0xD800]  }
0xdd: {  	s20 =	sand.u32 $0x1E00, s11;
	s10 =	simm.s32 $0x10;
	s13 =	simm.s32 $0x0;
	v3 =	vld [tilespmem:s14+$0xE000]  }
.LBB2_7:
0xde: {  	p2 =	sne.s32 s10, $0x7F0;
	v7 =	vld [tilespmem:s14+$0xE800];
	s14 =	sor.u32 s17, s20  }
0xdf: {  	v8 =	vld [tilespmem:s14+$0x13000];
	_ =	sdelay $0x2  }
0xe0: {  	v5 =	vsub.f32 v5, v1;
	v6 =	vsub.f32 v6, v2  }
0xe1: {  	v4 =	vsub.f32 v4, v0;
	v7 =	vsub.f32 v7, v3  }
0xe2: {  	v5 =	vmul.f32 v8, v5;
	v6 =	vmul.f32 v8, v6  }
0xe3: {  	s14 =	sadd.s32 $0x13000, s14;
	v4 =	vmul.f32 v8, v4;
	v7 =	vmul.f32 v7, v8  }
0xe4: {  	v8 =	vld [tilespmem:s14+$0x80];
	v1 =	vadd.f32 v5, v1;
	v2 =	vadd.f32 v6, v2  }
0xe5: {  	v0 =	vadd.f32 v4, v0;
	v3 =	vadd.f32 v7, v3;
	_ =	sdelay $0x1  }
0xe6: {  	v1 =	vsub.f32 v1, v0;
	v3 =	vsub.f32 v3, v2;
	_ =	sdelay $0x1  }
0xe7: {  	v1 =	vmul.f32 v1, v8;
	v3 =	vmul.f32 v3, v8  }
0xe8: {  	v4 =	vld [tilespmem:s14+$0x100]  }
0xe9: {  	v0 =	vadd.f32 v1, v0;
	v1 =	vadd.f32 v3, v2;
	_ =	sdelay $0x1  }
0xea: {  	v1 =	vsub.f32 v1, v0;
	_ =	sdelay $0x1  }
0xeb: {  	v1 =	vmul.f32 v1, v4;
	_ =	sdelay $0x1  }
0xec: {  	s13 =	sadd.s32 $0x40, s13;
	v1 =	vadd.f32 v1, v0  }
0xed: {  	s17 =	sshra.s32 s13, $0x2  }
0xee: {  	s14 =	sand.u32 $0x7F0, s10;
	v0 =	vld [tilespmem:s17+$0xB000];
	[tilespmem:s9+$0x17000] =	vst v1;
	s9 =	smov.u32 s17  }
0xef: {  	v4 =	vld [tilespmem:s14+$0xB800]  }
.Ltmp4:
0xf0: {  	v1 =	vld [tilespmem:s14+$0xC000];
	(pc) =	sbr.rel @p2 .LBB2_7-.Ltmp4, $4  }
0xf1: {  	v5 =	vld [tilespmem:s14+$0xC800]  }
0xf2: {  	v2 =	vld [tilespmem:s14+$0xD000]  }
0xf3: {  	v6 =	vld [tilespmem:s14+$0xD800]  }
0xf4: {  	s20 =	sand.u32 $0x1E00, s13;
	s17 =	sand.u32 $0x70, s10;
	s10 =	sadd.s32 $0x10, s10;
	v3 =	vld [tilespmem:s14+$0xE000]  }
0xf5: {  	v7 =	vld [tilespmem:s14+$0xE800];
	s10 =	sor.u32 s17, s20  }
0xf6: {  	v8 =	vld [tilespmem:s10+$0x13000];
	_ =	sdelay $0x2  }
0xf7: {  	v5 =	vsub.f32 v5, v1;
	v6 =	vsub.f32 v6, v2  }
0xf8: {  	v4 =	vsub.f32 v4, v0;
	v7 =	vsub.f32 v7, v3  }
0xf9: {  	v5 =	vmul.f32 v8, v5;
	v6 =	vmul.f32 v8, v6  }
0xfa: {  	s10 =	sadd.s32 $0x13000, s10;
	v4 =	vmul.f32 v8, v4;
	v7 =	vmul.f32 v7, v8  }
0xfb: {  	v57 =	vld [tilespmem:s10+$0x80];
	v58 =	vadd.f32 v5, v1;
	v59 =	vadd.f32 v6, v2  }
0xfc: {  	v60 =	vadd.f32 v4, v0;
	v61 =	vadd.f32 v7, v3;
	_ =	sdelay $0x1  }
0xfd: {  	v1 =	vsub.f32 v58, v60;
	v3 =	vsub.f32 v61, v59;
	_ =	sdelay $0x1  }
0xfe: {  	v1 =	vmul.f32 v1, v57;
	v3 =	vmul.f32 v3, v57  }
0xff: {  	v62 =	vld [tilespmem:s10+$0x100]  }
0x100: {  	v0 =	vadd.f32 v1, v60;
	v63 =	vadd.f32 v3, v59;
	_ =	sdelay $0x1  }
0x101: {  	v1 =	vsub.f32 v63, v0;
	_ =	sdelay $0x1  }
0x102: {  	v1 =	vmul.f32 v1, v62  }
.Ltmp5:
0x103: {  	s14 =	sshll.u32 s12, $0xC;
	(pc) =	sbr.rel @!p0 .LBB2_9-.Ltmp5, $4  }
0x104: {  	s22 =	sor.u32 s8, s14;
	v0 =	vadd.f32 v1, v0  }
0x105: {  	s13 =	sshrl.u32 s22, $0x3  }
0x106: {  	s25 =	sadd.s32 s6, s13;
	[tilespmem:s9+$0x17000] =	vst v0  }
0x107: {  	[hbm4b:s25+s7] =	stream.linear.scatter [tilespmem:s0], [sflag:$0x5], $0x800, $0x38;
	[tilespmem:$0x18000] =	vst v63  }
.Ltmp6:
0x108: {  	(pc) =	sbr.rel .LBB2_13-.Ltmp6, $4  }
0x109: {  	_ = 	snop  }
0x10a: {  	_ =	swait.ge [sflag:s4], $0x4000  }
0x10b: {  	[sflag:s4] =	ssyncset.done $0x0  }
0x10c: {  	[sflag:s4] =	ssyncadd.s32 $0xFFFFC000  }
.LBB2_9:
0x10d: {  	_ =	swait.ge [sflag:s23], $0x800  }
0x10e: {  	[sflag:s23] =	ssyncset.done $0x0  }
0x10f: {  	[sflag:s23] =	ssyncadd.s32 $0xFFFFF800  }
0x110: {  	_ =	swait.ge [sflag:s23], $0x800  }
0x111: {  	[sflag:s23] =	ssyncset.done $0x0  }
0x112: {  	[sflag:s23] =	ssyncadd.s32 $0xFFFFF800  }
0x113: {  	_ =	swait.ge [sflag:s23], $0x800  }
0x114: {  	[sflag:s23] =	ssyncset.done $0x0  }
0x115: {  	s17 =	simm.s32 $0x0;
	[sflag:s23] =	ssyncadd.s32 $0xFFFFF800  }
0x116: {  	v0 =	vld [tilespmem:s17+$0x2000]  }
0x117: {  	v1 =	vld [tilespmem:s17+$0x1000];
	_ =	sdelay $0x1  }
0x118: {  	v2 =	vld [tilespmem:s17+$0x0];
	_ =	sdelay $0x1  }
0x119: {  	v0 =	vadd.f32 $1.000000000e+00, v0  }
0x11a: {  	v1 =	vadd.f32 $1.000000000e+00, v1  }
0x11b: {  	v0 =	vmul.f32 $1.275000000e+02, v0  }
0x11c: {  	v2 =	vadd.f32 $1.000000000e+00, v2;
	v1 =	vmul.f32 $1.275000000e+02, v1  }
0x11d: {  	v0 =	vmax.f32 v0, $0.0e+00  }
0x11e: {  	v2 =	vmul.f32 $1.275000000e+02, v2;
	v1 =	vmax.f32 v1, $0.0e+00;
	v0 =	vmin.f32 v0, $2.550000000e+02  }
0x11f: {  	v3 =	vmin.f32 v1, $2.550000000e+02;
	v1 =	vtrunc.f32 v0  }
0x120: {  	v2 =	vmax.f32 v2, $0.0e+00;
	v4 =	vtrunc.f32 v3;
	v8 =	vcvt.f32.s32 v1  }
0x121: {  	v1 =	vmin.f32 v2, $2.550000000e+02;
	v11 =	vcvt.f32.s32 v4  }
0x122: {  	v4 =	vtrunc.f32 v1;
	v5 =	vcvt.s32.f32 v8;
	v2 =	vadd.s32 $0x1, v8  }
0x123: {  	s10 =	simm.s32 $0x0;
	v7 =	vcvt.f32.s32 v4;
	v9 =	vadd.s32 $0x1, v11;
	v4 =	vshll.u32 v11, $0x7  }
0x124: {  	s9 =	sand.u32 $0x70, s10;
	s20 =	sand.u32 $0x1E00, s10;
	v10 =	vcvt.s32.f32 v11;
	v11 =	vshll.u32 v11, $0x8;
	vm0 =	vlt.s32 v9, $0xFF  }
0x125: {  	s21 =	sor.u32 s9, s20;
	v4 =	vand.u32 $0x380, v4;
	v13 =	vsub.f32 v0, v5;
	v6 =	vcvt.s32.f32 v7  }
0x126: {  	s22 =	sadd.s32 $0x13000, s21;
	v5 =	vand.u32 $0x7F, v7;
	v12 =	vadd.s32 $0x1, v7;
	v9 =	vnsel vm0, $0xFF, v9  }
0x127: {  	s20 =	simm.s32 $0x10;
	s9 =	simm.s32 $0x0;
	v0 =	vshll.u32 v8, $0x10;
	vm0 =	vlt.s32 v12, $0xFF;
	v8 =	vshll.u32 v9, $0x7;
	[tilespmem:s22+$0x100] =	vst v13  }
.LBB2_10:
0x128: {  	p2 =	sne.s32 s20, $0x7F0  }
0x129: {  	v12 =	vnsel vm0, $0xFF, v12;
	vm0 =	vlt.s32 v2, $0xFF;
	v7 =	vshll.u32 v7, $0x3;
	s10 =	sadd.s32 $0x40, s10;
	s25 =	smov.u32 s20;
	s20 =	sadd.s32 $0x10, s20  }
0x12a: {  	v3 =	vsub.f32 v3, v10;
	v11 =	vand.u32 $0xFFFFF800, v11;
	v10 =	vshll.u32 v12, $0x3  }
0x12b: {  	v9 =	vshll.u32 v9, $0x8;
	v12 =	vand.u32 $0x7F, v12;
	v10 =	vand.u32 $0xFFFFFC00, v10  }
0x12c: {  	v1 =	vsub.f32 v1, v6;
	v6 =	vand.u32 $0xFFFFFC00, v7;
	v7 =	vor.u32 v12, v10  }
0x12d: {  	v2 =	vnsel vm0, $0xFF, v2;
	v4 =	vor.u32 v4, v11;
	v5 =	vor.u32 v5, v6  }
0x12e: {  	v6 =	vadd.s32 v0, v4;
	v2 =	vshll.u32 v2, $0x10;
	[tilespmem:s21+$0x13000] =	vst v1;
	v1 =	vand.u32 $0x380, v8  }
0x12f: {  	v4 =	vadd.s32 v4, v2;
	v8 =	vadd.s32 v5, v6;
	[tilespmem:s22+$0x80] =	vst v3;
	v3 =	vand.u32 $0xFFFFF800, v9  }
0x130: {  	s21 =	sand.u32 $0x7F0, s9;
	s9 =	smov.u32 s25;
	v1 =	vor.u32 v1, v3;
	[tilespmem:s17+$0x3000] =	vst v8;
	v3 =	vadd.s32 v7, v6;
	v6 =	vadd.s32 v7, v4  }
0x131: {  	v0 =	vadd.s32 v0, v1;
	v1 =	vadd.s32 v2, v1;
	[tilespmem:s21+$0x3800] =	vst v3  }
0x132: {  	v3 =	vadd.s32 v5, v4;
	v2 =	vadd.s32 v5, v0;
	v0 =	vadd.s32 v7, v0;
	[tilespmem:s21+$0x5800] =	vst v6  }
0x133: {  	[tilespmem:s21+$0x4000] =	vst v2;
	v2 =	vadd.s32 v5, v1;
	v1 =	vadd.s32 v7, v1  }
0x134: {  	[tilespmem:s21+$0x6000] =	vst v2  }
0x135: {  	s17 =	sshra.s32 s10, $0x2;
	[tilespmem:s21+$0x6800] =	vst v1  }
0x136: {  	[tilespmem:s21+$0x5000] =	vst v3  }
0x137: {  	[tilespmem:s21+$0x4800] =	vst v0  }
0x138: {  	v0 =	vld [tilespmem:s17+$0x2000]  }
0x139: {  	v1 =	vld [tilespmem:s17+$0x1000];
	_ =	sdelay $0x1  }
0x13a: {  	v2 =	vld [tilespmem:s17+$0x0];
	_ =	sdelay $0x1  }
0x13b: {  	v0 =	vadd.f32 $1.000000000e+00, v0  }
0x13c: {  	v1 =	vadd.f32 $1.000000000e+00, v1  }
0x13d: {  	v0 =	vmul.f32 $1.275000000e+02, v0  }
0x13e: {  	v2 =	vadd.f32 $1.000000000e+00, v2;
	v1 =	vmul.f32 $1.275000000e+02, v1  }
0x13f: {  	v0 =	vmax.f32 v0, $0.0e+00  }
0x140: {  	v2 =	vmul.f32 $1.275000000e+02, v2;
	v1 =	vmax.f32 v1, $0.0e+00;
	v0 =	vmin.f32 v0, $2.550000000e+02  }
0x141: {  	v3 =	vmin.f32 v1, $2.550000000e+02;
	v1 =	vtrunc.f32 v0  }
0x142: {  	v2 =	vmax.f32 v2, $0.0e+00;
	v4 =	vtrunc.f32 v3;
	v8 =	vcvt.f32.s32 v1  }
0x143: {  	v1 =	vmin.f32 v2, $2.550000000e+02;
	v11 =	vcvt.f32.s32 v4  }
0x144: {  	v4 =	vtrunc.f32 v1;
	v5 =	vcvt.s32.f32 v8;
	v2 =	vadd.s32 $0x1, v8  }
.Ltmp7:
0x145: {  	s22 =	sand.u32 $0x1E00, s10;
	s21 =	sand.u32 $0x70, s9;
	v7 =	vcvt.f32.s32 v4;
	v9 =	vadd.s32 $0x1, v11;
	v4 =	vshll.u32 v11, $0x7;
	(pc) =	sbr.rel @p2 .LBB2_10-.Ltmp7, $4  }
0x146: {  	s21 =	sor.u32 s21, s22;
	v12 =	vsub.f32 v0, v5;
	vm0 =	vlt.s32 v9, $0xFF;
	v4 =	vand.u32 $0x380, v4  }
0x147: {  	s22 =	sadd.s32 $0x13000, s21;
	v0 =	vshll.u32 v8, $0x10;
	v6 =	vcvt.s32.f32 v7;
	v5 =	vand.u32 $0x7F, v7  }
0x148: {  	v10 =	vcvt.s32.f32 v11;
	v9 =	vnsel vm0, $0xFF, v9;
	[tilespmem:s22+$0x100] =	vst v12;
	v12 =	vadd.s32 $0x1, v7  }
0x149: {  	v11 =	vshll.u32 v11, $0x8;
	v8 =	vshll.u32 v9, $0x7;
	vm0 =	vlt.s32 v12, $0xFF  }
0x14a: {  	v12 =	vnsel vm0, $0xFF, v12;
	vm15 =	vlt.s32 v2, $0xFF  }
0x14b: {  	v7 =	vshll.u32 v7, $0x3;
	v3 =	vsub.f32 v3, v10;
	v11 =	vand.u32 $0xFFFFF800, v11  }
0x14c: {  	v9 =	vshll.u32 v9, $0x8;
	v1 =	vsub.f32 v1, v6;
	v54 =	vand.u32 $0x380, v8  }
0x14d: {  	v51 =	vshll.u32 v12, $0x3;
	v12 =	vand.u32 $0x7F, v12;
	v52 =	vand.u32 $0xFFFFFC00, v7  }
0x14e: {  	v2 =	vnsel vm15, $0xFF, v2;
	v4 =	vor.u32 v4, v11;
	v56 =	vand.u32 $0xFFFFF800, v9  }
0x14f: {  	v10 =	vand.u32 $0xFFFFFC00, v51;
	v5 =	vor.u32 v5, v52;
	[tilespmem:s21+$0x13000] =	vst v1;
	v55 =	vadd.s32 v0, v4  }
0x150: {  	v2 =	vshll.u32 v2, $0x10;
	[tilespmem:s22+$0x80] =	vst v3;
	v53 =	vor.u32 v12, v10;
	v57 =	vadd.s32 v5, v55  }
0x151: {  	s9 =	sand.u32 $0x7F0, s9;
	v1 =	vor.u32 v54, v56;
	v4 =	vadd.s32 v4, v2;
	[tilespmem:s17+$0x3000] =	vst v57;
	v58 =	vadd.s32 v53, v55  }
0x152: {  	v60 =	vadd.s32 v0, v1;
	v59 =	vadd.s32 v53, v4;
	[tilespmem:s9+$0x3800] =	vst v58  }
0x153: {  	v1 =	vadd.s32 v2, v1;
	v61 =	vadd.s32 v5, v60;
	[tilespmem:s9+$0x5800] =	vst v59  }
0x154: {  	v62 =	vadd.s32 v5, v1;
	[tilespmem:s9+$0x4000] =	vst v61  }
0x155: {  	v1 =	vadd.s32 v53, v1;
	[tilespmem:s9+$0x6000] =	vst v62  }
0x156: {  	v63 =	vadd.s32 v5, v4;
	[tilespmem:s9+$0x6800] =	vst v1  }
0x157: {  	v0 =	vadd.s32 v53, v60;
	s17 =	sadd.s32 s14, s16;
	[tilespmem:s9+$0x5000] =	vst v63  }
0x158: {  	s10 =	simm.s32 $0x3000;
	[tilespmem:s9+$0x4800] =	vst v0;
	s9 =	sshrl.u32 s17, $0x3  }
0x159: {  	[tilespmem:s26], [sflag:$0x3] =	stream.indirect.gather [hbm4b:s1+s24], $0x1, s10, s24, $0xb8;
	[tilespmem:$0x18000] =	vst v63  }
0x15a: {  	s20 =	simm.s32 $0x800;
	s10 =	sadd.s32 s2, s9  }
0x15b: {  	[tilespmem:s20], [sflag:$0x2] =	stream.linear.gather [hbm4b:s10+s7], $0x800, $0x38;
	[tilespmem:$0x18000] =	vst v63  }
0x15c: {  	s22 =	simm.s32 $0x1800;
	s21 =	sadd.s32 s3, s9  }
0x15d: {  	[tilespmem:s22], [sflag:$0x2] =	stream.linear.gather [hbm4b:s21+s7], $0x800, $0x38;
	[tilespmem:$0x18000] =	vst v63  }
.Ltmp8:
0x15e: {  	s25 =	simm.s32 $0x2800;
	s9 =	sadd.s32 s5, s9;
	(pc) =	sbr.rel @p1 .LBB2_14-.Ltmp8, $4  }
0x15f: {  	[tilespmem:s25], [sflag:$0x2] =	stream.linear.gather [hbm4b:s9+s7], $0x800, $0x38;
	[tilespmem:$0x18000] =	vst v63  }
0x160: {  	_ =	swait.ge [sflag:s4], $0x4000  }
0x161: {  	[sflag:s4] =	ssyncset.done $0x0  }
0x162: {  	[sflag:s4] =	ssyncadd.s32 $0xFFFFC000  }
.LBB2_13:
0x163: {  	_ =	swait.ge [sflag:s18], $0x800  }
0x164: {  	[sflag:s18] =	ssyncset.done $0x0  }
0x165: {  	[sflag:s18] =	ssyncadd.s32 $0xFFFFF800  }
.LBB2_14:
0x166: {  	s10 =	simm.s32 $0x0;
	s9 =	simm.s32 $0x0  }
0x167: {  	v0 =	vld [tilespmem:s9+$0xF000];
	s17 =	sand.u32 $0x7F0, s10  }
0x168: {  	v4 =	vld [tilespmem:s17+$0xF800]  }
0x169: {  	v1 =	vld [tilespmem:s17+$0x10000]  }
0x16a: {  	v5 =	vld [tilespmem:s17+$0x10800]  }
0x16b: {  	v2 =	vld [tilespmem:s17+$0x11000]  }
0x16c: {  	v6 =	vld [tilespmem:s17+$0x11800]  }
0x16d: {  	s14 =	simm.s32 $0x10;
	s20 =	sand.u32 $0x70, s10;
	s21 =	sand.u32 $0x1E00, s10;
	v3 =	vld [tilespmem:s17+$0x12000]  }
.LBB2_15:
0x16e: {  	p1 =	sne.s32 s14, $0x7F0;
	v7 =	vld [tilespmem:s17+$0x12800];
	s17 =	sor.u32 s20, s21  }
0x16f: {  	v8 =	vld [tilespmem:s17+$0x15000];
	_ =	sdelay $0x2  }
0x170: {  	v5 =	vsub.f32 v5, v1;
	v6 =	vsub.f32 v6, v2  }
0x171: {  	v4 =	vsub.f32 v4, v0;
	v7 =	vsub.f32 v7, v3  }
0x172: {  	v5 =	vmul.f32 v8, v5;
	v6 =	vmul.f32 v8, v6  }
0x173: {  	s17 =	sadd.s32 $0x15000, s17;
	v4 =	vmul.f32 v8, v4;
	v7 =	vmul.f32 v7, v8  }
0x174: {  	v8 =	vld [tilespmem:s17+$0x80];
	v1 =	vadd.f32 v5, v1;
	v2 =	vadd.f32 v6, v2  }
0x175: {  	v0 =	vadd.f32 v4, v0;
	v3 =	vadd.f32 v7, v3;
	_ =	sdelay $0x1  }
0x176: {  	v1 =	vsub.f32 v1, v0;
	v3 =	vsub.f32 v3, v2;
	_ =	sdelay $0x1  }
0x177: {  	v1 =	vmul.f32 v1, v8;
	v3 =	vmul.f32 v3, v8  }
0x178: {  	v4 =	vld [tilespmem:s17+$0x100]  }
0x179: {  	v0 =	vadd.f32 v1, v0;
	v1 =	vadd.f32 v3, v2;
	_ =	sdelay $0x1  }
0x17a: {  	v1 =	vsub.f32 v1, v0;
	_ =	sdelay $0x1  }
0x17b: {  	v1 =	vmul.f32 v1, v4;
	_ =	sdelay $0x1  }
0x17c: {  	s10 =	sadd.s32 $0x40, s10;
	v1 =	vadd.f32 v1, v0  }
0x17d: {  	s20 =	sshra.s32 s10, $0x2  }
0x17e: {  	s17 =	sand.u32 $0x7F0, s14;
	v0 =	vld [tilespmem:s20+$0xF000];
	[tilespmem:s9+$0x17800] =	vst v1;
	s9 =	smov.u32 s20  }
0x17f: {  	v4 =	vld [tilespmem:s17+$0xF800]  }
.Ltmp9:
0x180: {  	v1 =	vld [tilespmem:s17+$0x10000];
	(pc) =	sbr.rel @p1 .LBB2_15-.Ltmp9, $4  }
0x181: {  	v5 =	vld [tilespmem:s17+$0x10800]  }
0x182: {  	v2 =	vld [tilespmem:s17+$0x11000]  }
0x183: {  	v6 =	vld [tilespmem:s17+$0x11800]  }
0x184: {  	s21 =	sand.u32 $0x1E00, s10;
	s20 =	sand.u32 $0x70, s14;
	s14 =	sadd.s32 $0x10, s14;
	v3 =	vld [tilespmem:s17+$0x12000]  }
0x185: {  	v7 =	vld [tilespmem:s17+$0x12800];
	s10 =	sor.u32 s20, s21  }
0x186: {  	v8 =	vld [tilespmem:s10+$0x15000];
	_ =	sdelay $0x2  }
0x187: {  	v5 =	vsub.f32 v5, v1;
	v6 =	vsub.f32 v6, v2  }
0x188: {  	v4 =	vsub.f32 v4, v0;
	v7 =	vsub.f32 v7, v3  }
0x189: {  	v5 =	vmul.f32 v8, v5;
	v6 =	vmul.f32 v8, v6  }
0x18a: {  	s10 =	sadd.s32 $0x15000, s10;
	v4 =	vmul.f32 v8, v4;
	v7 =	vmul.f32 v7, v8  }
0x18b: {  	v57 =	vld [tilespmem:s10+$0x80];
	v58 =	vadd.f32 v5, v1;
	v59 =	vadd.f32 v6, v2  }
0x18c: {  	v60 =	vadd.f32 v4, v0;
	v61 =	vadd.f32 v7, v3;
	_ =	sdelay $0x1  }
0x18d: {  	v1 =	vsub.f32 v58, v60;
	v3 =	vsub.f32 v61, v59;
	_ =	sdelay $0x1  }
0x18e: {  	v1 =	vmul.f32 v1, v57;
	v3 =	vmul.f32 v3, v57  }
0x18f: {  	v62 =	vld [tilespmem:s10+$0x100]  }
0x190: {  	v0 =	vadd.f32 v1, v60;
	v63 =	vadd.f32 v3, v59;
	_ =	sdelay $0x1  }
0x191: {  	v1 =	vsub.f32 v63, v0;
	_ =	sdelay $0x1  }
0x192: {  	v1 =	vmul.f32 v1, v62  }
.Ltmp10:
0x193: {  	_ = 	snop;
	(pc) =	sbr.rel @p0 .LBB2_20-.Ltmp10, $4  }
0x194: {  	v0 =	vadd.f32 v1, v0  }
0x195: {  	s22 =	sadd.s32 s13, s6  }
0x196: {  	s25 =	sadd.s32 $0x100, s22;
	[tilespmem:s9+$0x17800] =	vst v0  }
0x197: {  	[hbm4b:s25+s7] =	stream.linear.scatter [tilespmem:s19], [sflag:$0x6], $0x800, $0x38;
	[tilespmem:$0x18000] =	vst v63  }
0x198: {  	_ =	swait.ge [sflag:s28], $0x800  }
0x199: {  	[sflag:s28] =	ssyncset.done $0x0  }
0x19a: {  	[sflag:s28] =	ssyncadd.s32 $0xFFFFF800  }
0x19b: {  	_ =	swait.ge [sflag:s28], $0x800  }
0x19c: {  	[sflag:s28] =	ssyncset.done $0x0  }
0x19d: {  	[sflag:s28] =	ssyncadd.s32 $0xFFFFF800  }
0x19e: {  	_ =	swait.ge [sflag:s28], $0x800  }
0x19f: {  	[sflag:s28] =	ssyncset.done $0x0  }
0x1a0: {  	s13 =	simm.s32 $0x0;
	[sflag:s28] =	ssyncadd.s32 $0xFFFFF800  }
0x1a1: {  	v0 =	vld [tilespmem:s13+$0x2800]  }
0x1a2: {  	v1 =	vld [tilespmem:s13+$0x1800];
	_ =	sdelay $0x1  }
0x1a3: {  	v2 =	vld [tilespmem:s13+$0x800];
	_ =	sdelay $0x1  }
0x1a4: {  	v0 =	vadd.f32 $1.000000000e+00, v0  }
0x1a5: {  	v1 =	vadd.f32 $1.000000000e+00, v1  }
0x1a6: {  	v0 =	vmul.f32 $1.275000000e+02, v0  }
0x1a7: {  	v2 =	vadd.f32 $1.000000000e+00, v2;
	v1 =	vmul.f32 $1.275000000e+02, v1  }
0x1a8: {  	v0 =	vmax.f32 v0, $0.0e+00  }
0x1a9: {  	v2 =	vmul.f32 $1.275000000e+02, v2;
	v1 =	vmax.f32 v1, $0.0e+00;
	v0 =	vmin.f32 v0, $2.550000000e+02  }
0x1aa: {  	v3 =	vmin.f32 v1, $2.550000000e+02;
	v1 =	vtrunc.f32 v0  }
0x1ab: {  	v2 =	vmax.f32 v2, $0.0e+00;
	v4 =	vtrunc.f32 v3;
	v8 =	vcvt.f32.s32 v1  }
0x1ac: {  	v1 =	vmin.f32 v2, $2.550000000e+02;
	v11 =	vcvt.f32.s32 v4  }
0x1ad: {  	v4 =	vtrunc.f32 v1;
	v5 =	vcvt.s32.f32 v8;
	v2 =	vadd.s32 $0x1, v8  }
0x1ae: {  	s10 =	simm.s32 $0x0;
	v7 =	vcvt.f32.s32 v4;
	v9 =	vadd.s32 $0x1, v11;
	v4 =	vshll.u32 v11, $0x7  }
0x1af: {  	s9 =	sand.u32 $0x70, s10;
	s14 =	sand.u32 $0x1E00, s10;
	v10 =	vcvt.s32.f32 v11;
	v11 =	vshll.u32 v11, $0x8;
	vm0 =	vlt.s32 v9, $0xFF  }
0x1b0: {  	s17 =	sor.u32 s9, s14;
	v4 =	vand.u32 $0x380, v4;
	v13 =	vsub.f32 v0, v5;
	v6 =	vcvt.s32.f32 v7  }
0x1b1: {  	s20 =	sadd.s32 $0x15000, s17;
	v5 =	vand.u32 $0x7F, v7;
	v12 =	vadd.s32 $0x1, v7;
	v9 =	vnsel vm0, $0xFF, v9  }
0x1b2: {  	s14 =	simm.s32 $0x10;
	s9 =	simm.s32 $0x0;
	v0 =	vshll.u32 v8, $0x10;
	vm0 =	vlt.s32 v12, $0xFF;
	v8 =	vshll.u32 v9, $0x7;
	[tilespmem:s20+$0x100] =	vst v13  }
.LBB2_18:
0x1b3: {  	p0 =	sne.s32 s14, $0x7F0  }
0x1b4: {  	v12 =	vnsel vm0, $0xFF, v12;
	vm0 =	vlt.s32 v2, $0xFF;
	v7 =	vshll.u32 v7, $0x3;
	s10 =	sadd.s32 $0x40, s10;
	s21 =	smov.u32 s14;
	s14 =	sadd.s32 $0x10, s14  }
0x1b5: {  	v3 =	vsub.f32 v3, v10;
	v11 =	vand.u32 $0xFFFFF800, v11;
	v10 =	vshll.u32 v12, $0x3  }
0x1b6: {  	v9 =	vshll.u32 v9, $0x8;
	v12 =	vand.u32 $0x7F, v12;
	v10 =	vand.u32 $0xFFFFFC00, v10  }
0x1b7: {  	v1 =	vsub.f32 v1, v6;
	v6 =	vand.u32 $0xFFFFFC00, v7;
	v7 =	vor.u32 v12, v10  }
0x1b8: {  	v2 =	vnsel vm0, $0xFF, v2;
	v4 =	vor.u32 v4, v11;
	v5 =	vor.u32 v5, v6  }
0x1b9: {  	v6 =	vadd.s32 v0, v4;
	v2 =	vshll.u32 v2, $0x10;
	[tilespmem:s17+$0x15000] =	vst v1;
	v1 =	vand.u32 $0x380, v8  }
0x1ba: {  	v4 =	vadd.s32 v4, v2;
	v8 =	vadd.s32 v5, v6;
	[tilespmem:s20+$0x80] =	vst v3;
	v3 =	vand.u32 $0xFFFFF800, v9  }
0x1bb: {  	s17 =	sand.u32 $0x7F0, s9;
	s9 =	smov.u32 s21;
	v1 =	vor.u32 v1, v3;
	[tilespmem:s13+$0x7000] =	vst v8;
	v3 =	vadd.s32 v7, v6;
	v6 =	vadd.s32 v7, v4  }
0x1bc: {  	v0 =	vadd.s32 v0, v1;
	v1 =	vadd.s32 v2, v1;
	[tilespmem:s17+$0x7800] =	vst v3  }
0x1bd: {  	v3 =	vadd.s32 v5, v4;
	v2 =	vadd.s32 v5, v0;
	v0 =	vadd.s32 v7, v0;
	[tilespmem:s17+$0x9800] =	vst v6  }
0x1be: {  	[tilespmem:s17+$0x8000] =	vst v2;
	v2 =	vadd.s32 v5, v1;
	v1 =	vadd.s32 v7, v1  }
0x1bf: {  	[tilespmem:s17+$0xA000] =	vst v2  }
0x1c0: {  	s13 =	sshra.s32 s10, $0x2;
	[tilespmem:s17+$0xA800] =	vst v1  }
0x1c1: {  	[tilespmem:s17+$0x9000] =	vst v3  }
0x1c2: {  	[tilespmem:s17+$0x8800] =	vst v0  }
0x1c3: {  	v0 =	vld [tilespmem:s13+$0x2800]  }
0x1c4: {  	v1 =	vld [tilespmem:s13+$0x1800];
	_ =	sdelay $0x1  }
0x1c5: {  	v2 =	vld [tilespmem:s13+$0x800];
	_ =	sdelay $0x1  }
0x1c6: {  	v0 =	vadd.f32 $1.000000000e+00, v0  }
0x1c7: {  	v1 =	vadd.f32 $1.000000000e+00, v1  }
0x1c8: {  	v0 =	vmul.f32 $1.275000000e+02, v0  }
0x1c9: {  	v2 =	vadd.f32 $1.000000000e+00, v2;
	v1 =	vmul.f32 $1.275000000e+02, v1  }
0x1ca: {  	v0 =	vmax.f32 v0, $0.0e+00  }
0x1cb: {  	v2 =	vmul.f32 $1.275000000e+02, v2;
	v1 =	vmax.f32 v1, $0.0e+00;
	v0 =	vmin.f32 v0, $2.550000000e+02  }
0x1cc: {  	v3 =	vmin.f32 v1, $2.550000000e+02;
	v1 =	vtrunc.f32 v0  }
0x1cd: {  	v2 =	vmax.f32 v2, $0.0e+00;
	v4 =	vtrunc.f32 v3;
	v8 =	vcvt.f32.s32 v1  }
0x1ce: {  	v1 =	vmin.f32 v2, $2.550000000e+02;
	v11 =	vcvt.f32.s32 v4  }
0x1cf: {  	v4 =	vtrunc.f32 v1;
	v5 =	vcvt.s32.f32 v8;
	v2 =	vadd.s32 $0x1, v8  }
.Ltmp11:
0x1d0: {  	s20 =	sand.u32 $0x1E00, s10;
	s17 =	sand.u32 $0x70, s9;
	v7 =	vcvt.f32.s32 v4;
	v9 =	vadd.s32 $0x1, v11;
	v4 =	vshll.u32 v11, $0x7;
	(pc) =	sbr.rel @p0 .LBB2_18-.Ltmp11, $4  }
0x1d1: {  	s17 =	sor.u32 s17, s20;
	v12 =	vsub.f32 v0, v5;
	vm0 =	vlt.s32 v9, $0xFF;
	v4 =	vand.u32 $0x380, v4  }
0x1d2: {  	s20 =	sadd.s32 $0x15000, s17;
	v0 =	vshll.u32 v8, $0x10;
	v6 =	vcvt.s32.f32 v7;
	v5 =	vand.u32 $0x7F, v7  }
0x1d3: {  	v10 =	vcvt.s32.f32 v11;
	v9 =	vnsel vm0, $0xFF, v9;
	[tilespmem:s20+$0x100] =	vst v12;
	v12 =	vadd.s32 $0x1, v7  }
0x1d4: {  	v11 =	vshll.u32 v11, $0x8;
	v8 =	vshll.u32 v9, $0x7;
	vm0 =	vlt.s32 v12, $0xFF  }
0x1d5: {  	v12 =	vnsel vm0, $0xFF, v12;
	vm15 =	vlt.s32 v2, $0xFF  }
0x1d6: {  	v7 =	vshll.u32 v7, $0x3;
	v3 =	vsub.f32 v3, v10;
	v11 =	vand.u32 $0xFFFFF800, v11  }
0x1d7: {  	v9 =	vshll.u32 v9, $0x8;
	v1 =	vsub.f32 v1, v6;
	v54 =	vand.u32 $0x380, v8  }
0x1d8: {  	v51 =	vshll.u32 v12, $0x3;
	v12 =	vand.u32 $0x7F, v12;
	v52 =	vand.u32 $0xFFFFFC00, v7  }
0x1d9: {  	v2 =	vnsel vm15, $0xFF, v2;
	v4 =	vor.u32 v4, v11;
	v56 =	vand.u32 $0xFFFFF800, v9  }
0x1da: {  	v10 =	vand.u32 $0xFFFFFC00, v51;
	v5 =	vor.u32 v5, v52;
	[tilespmem:s17+$0x15000] =	vst v1;
	v55 =	vadd.s32 v0, v4  }
0x1db: {  	v2 =	vshll.u32 v2, $0x10;
	[tilespmem:s20+$0x80] =	vst v3;
	v53 =	vor.u32 v12, v10;
	v57 =	vadd.s32 v5, v55  }
0x1dc: {  	s9 =	sand.u32 $0x7F0, s9;
	v1 =	vor.u32 v54, v56;
	v4 =	vadd.s32 v4, v2;
	[tilespmem:s13+$0x7000] =	vst v57;
	v58 =	vadd.s32 v53, v55  }
0x1dd: {  	v60 =	vadd.s32 v0, v1;
	v59 =	vadd.s32 v53, v4;
	[tilespmem:s9+$0x7800] =	vst v58  }
0x1de: {  	v1 =	vadd.s32 v2, v1;
	v61 =	vadd.s32 v5, v60;
	[tilespmem:s9+$0x9800] =	vst v59  }
0x1df: {  	v62 =	vadd.s32 v5, v1;
	[tilespmem:s9+$0x8000] =	vst v61  }
.Ltmp12:
0x1e0: {  	v1 =	vadd.s32 v53, v1;
	[tilespmem:s9+$0xA000] =	vst v62;
	(pc) =	sbr.rel .LBB2_6-.Ltmp12, $4  }
0x1e1: {  	v63 =	vadd.s32 v5, v4;
	[tilespmem:s9+$0xA800] =	vst v1  }
0x1e2: {  	v0 =	vadd.s32 v53, v60;
	[tilespmem:s9+$0x9000] =	vst v63  }
0x1e3: {  	s12 =	sadd.s32 $0x1, s12;
	[tilespmem:s9+$0x8800] =	vst v0  }
0x1e4: {  	[tilespmem:s30], [sflag:$0x4] =	stream.indirect.gather [hbm4b:s1+s24], $0x1, s29, s24, $0xb8;
	[tilespmem:$0x18000] =	vst v63  }
.LBB2_21:
0x1e5: {  	_ =	sfence.sel $0x180000  }
0x1e6: {  	[bflag:$0x0] =	sbarrier.arrive $0xFFFF  }
0x1e7: {  	_ =	strace $0x90000047  }
0x1e8: {  	s0 =	stileid.u32;
	[bflag:$0x2] =	sbarrier.arrive $0xFFFF  }
0x1e9: {  	p0 =	sne.s32 s0, $0x0;
	s0 =	rddreg [dreg:$0x5]  }
0x1ea: {  	s0 =	sadd.s32 @!p0 $0x100000, s0  }
0x1eb: {  	[sflag:s0] =	ssyncadd.tile.s32 @!p0 $0x1;
	_ =	shalt  }
.Lfunc_end2:
_tile_overlayer_lowered:
.L_overlay_start_2:
0x1ec: {  	(tag) =	ssettag $0x2  }
0x1ed: {  	s0 =	rddreg [dreg:$0x0];
	s2 =	stileid.u32  }
0x1ee: {  	s1 =	rddreg [dreg:$0x1];
	p0 =	sne.s32 s2, $0x0  }
0x1ef: {  	s3 =	rddreg [dreg:$0x2];
	[bflag:$0x3] =	sbarrier.arrive $0xFFFF;
	s2 =	simm.s32 @!p0 $0x1C07  }
0x1f0: {  	[timem:s3], [sflag:s2] =	dma.local @!p0 [hbm:s0], s1  }
0x1f1: {  	s0 =	simm.s32 @!p0 $0x7  }
0x1f2: {  	_ =	swait.ge @!p0 [sflag:s0], s1  }
0x1f3: {  	s1 =	ssub.s32 @!p0 $0x0, s1;
	[sflag:s0] =	ssyncset.done @!p0 $0x0  }
0x1f4: {  	[sflag:s0] =	ssyncadd.s32 @!p0 s1  }
0x1f5: {  	[bflag:$0x3] =	sbarrier.arrive $0xFFFF  }
0x1f6: {  	_ =	shalt  }

</sc_bundles>
